<compile_context>
chip_gen: v7x
topology: tpu7x:2x2x1
jax: 0.10.2.dev20260603
libtpu: 0.0.44.dev20260713+nightly
codegen_flags: <defaults>
</compile_context>

<pallas_src>
import functools

import jax
import jax.numpy as jnp
from jax import lax
from jax.experimental import pallas as pl
from jax.experimental.pallas import tpu as pltpu
from jax.experimental.pallas import tpu_sc as plsc



def _meta_body(htpc_ref, htpr_ref, oidx_ref, htg_ref, cq_ref, isht_ref,
               *, L, R, n):
    b = pl.program_id(0)
    htp_col = htpc_ref[0]
    iota_col = lax.broadcasted_iota(jnp.int32, (R, 1), 0)
    slot_col = htp_col + iota_col + 1
    j_row = lax.broadcasted_iota(jnp.int32, (1, L), 1)
    q_row = lax.broadcasted_iota(jnp.int32, (1, n), 1)

    cnt_lt = jnp.sum((htp_col < j_row).astype(jnp.int32), axis=0,
                     keepdims=True)
    c = jnp.sum((slot_col <= q_row).astype(jnp.int32), axis=0,
                keepdims=True)
    isht = jnp.sum((slot_col == q_row).astype(jnp.int32), axis=0,
                   keepdims=True)

    oidx_ref[0] = j_row + cnt_lt + b * n
    r_iota = lax.broadcasted_iota(jnp.int32, (1, R), 1)
    htg_ref[0] = htpr_ref[0] + r_iota + 1 + b * n
    cq_ref[0] = c
    isht_ref[0] = isht


def _run_meta(htp, B, L, R, n):
    grid = (B,)
    out_shapes = (
        jax.ShapeDtypeStruct((B, 1, L), jnp.int32),
        jax.ShapeDtypeStruct((B, 1, R), jnp.int32),
        jax.ShapeDtypeStruct((B, 1, n), jnp.int32),
        jax.ShapeDtypeStruct((B, 1, n), jnp.int32),
    )
    return pl.pallas_call(
        functools.partial(_meta_body, L=L, R=R, n=n),
        grid=grid,
        in_specs=[
            pl.BlockSpec((1, R, 1), lambda b: (b, 0, 0)),
            pl.BlockSpec((1, 1, R), lambda b: (b, 0, 0)),
        ],
        out_specs=(
            pl.BlockSpec((1, 1, L), lambda b: (b, 0, 0)),
            pl.BlockSpec((1, 1, R), lambda b: (b, 0, 0)),
            pl.BlockSpec((1, 1, n), lambda b: (b, 0, 0)),
            pl.BlockSpec((1, 1, n), lambda b: (b, 0, 0)),
        ),
        out_shape=out_shapes,
    )(htp.reshape(B, R, 1), htp.reshape(B, 1, R))



def _mask_body(htp_ref, cq_ref, isht_ref, out_ref, *, R, n, PR):
    j = pl.program_id(1)
    r_iota = lax.broadcasted_iota(jnp.int32, (1, R), 1)
    htslot = htp_ref[0] + r_iota + 1
    p_col = lax.broadcasted_iota(jnp.int32, (PR, 1), 0) + j * PR
    le = htslot <= p_col
    T_p = jnp.max(jnp.where(le, jnp.broadcast_to(htslot, (PR, R)), 0),
                  axis=1, keepdims=True)
    isht_p = jnp.max((htslot == p_col).astype(jnp.int32), axis=1,
                     keepdims=True)
    H2_p = jnp.where(isht_p > 0, 0, T_p)

    q_row = lax.broadcasted_iota(jnp.int32, (1, n), 1)
    isht_q = isht_ref[0]
    inner = jnp.where(q_row == T_p, 0, jnp.broadcast_to(isht_q, (PR, n)))
    out32 = jnp.where(q_row < H2_p, 1, inner)
    out_ref[0] = out32.astype(jnp.int8)


def _run_mask(htp3, cq, isht, B, R, n, PR):
    grid = (B, n // PR)
    return pl.pallas_call(
        functools.partial(_mask_body, R=R, n=n, PR=PR),
        grid=grid,
        in_specs=[
            pl.BlockSpec((1, 1, R), lambda b, j: (b, 0, 0)),
            pl.BlockSpec((1, 1, n), lambda b, j: (b, 0, 0)),
            pl.BlockSpec((1, 1, n), lambda b, j: (b, 0, 0)),
        ],
        out_specs=pl.BlockSpec((1, PR, n), lambda b, j: (b, j, 0)),
        out_shape=jax.ShapeDtypeStruct((B, n, n), jnp.int8),
    )(htp3, cq, isht)



_ROWS_CHUNK = 32
_TS_CHUNK = 128
_NBUF = 3
_LA = 1


def _sc_body(x2, tsf, ts128, oidx32, oidx128, htg, htpf, tok_rows,
             outx2, outts, idxbuf, rowbuf, tsidx, tsbuf, tokbuf,
             htgv, htpv, httsv,
             si0, si1, si2, si3, so0, so1, so2, so3, sa,
             *, L, D, n, NW, HT_PER_W):
    semin = (si0, si1, si2, si3)[:_NBUF]
    semout = (so0, so1, so2, so3)[:_NBUF]
    CH = _ROWS_CHUNK
    c_i = lax.axis_index("c")
    s_i = lax.axis_index("s")
    w = s_i * 2 + c_i
    rows_per_w = x2.shape[0] // NW
    nch = rows_per_w // CH
    tch = rows_per_w // _TS_CHUNK
    wbase = w * rows_per_w
    batch = (w * HT_PER_W) // (htpf.shape[0] // (x2.shape[0] // L))

    aux = [
        pltpu.async_copy(oidx128.at[pl.ds(w * tch, tch)], tsidx, sa),
        pltpu.async_copy(ts128.at[pl.ds(w * tch, tch)], tsbuf, sa),
        pltpu.async_copy(htg.at[pl.ds(w * HT_PER_W, HT_PER_W)], htgv, sa),
        pltpu.async_copy(tok_rows, tokbuf, sa),
        pltpu.async_copy(htpf.at[pl.ds(w * HT_PER_W, HT_PER_W)], htpv, sa),
    ]
    pltpu.sync_copy(oidx32.at[pl.ds(w * nch, nch)], idxbuf)

    def start_in(f):
        s = f % _NBUF
        return pltpu.async_copy(x2.at[pl.ds(wbase + f * CH, CH)],
                                rowbuf.at[s], semin[s])

    ins, outs = {}, {}
    for f in range(min(_LA, nch)):
        ins[f] = start_in(f)
    for j in range(nch):
        s = j % _NBUF
        f = j + _LA
        if f < nch:
            fs = f % _NBUF
            if f >= _NBUF:
                outs[f - _NBUF].wait()
            ins[f] = start_in(f)
        ins[j].wait()
        outs[j] = pltpu.async_copy(rowbuf.at[s], outx2.at[idxbuf.at[j]],
                                   semout[s])
    for j in range(max(0, nch - _NBUF), nch):
        outs[j].wait()

    for cp in aux:
        cp.wait()
    tsc = [pltpu.async_copy(tsbuf.at[j], outts.at[tsidx.at[j]], sa)
           for j in range(tch)]

    tokc = pltpu.async_copy(tokbuf, outx2.at[htgv], sa)
    httsidx = htpv[...] + batch * L
    pltpu.async_copy(tsf.at[httsidx], httsv, si0).wait()
    pltpu.async_copy(httsv, outts.at[htgv], sa).wait()
    for cp in tsc:
        cp.wait()
    tokc.wait()


def _run_sc(x2, tsf, oidxf, htgf, htpf, token, B, L, D, R, n):
    info = plsc.get_sparse_core_info()
    NW = info.num_cores * info.num_subcores
    rows_per_w = (B * L) // NW
    nch = rows_per_w // _ROWS_CHUNK
    tch = rows_per_w // _TS_CHUNK
    HT_PER_W = (B * R) // NW

    tok_rows = jnp.broadcast_to(token[None, :], (HT_PER_W, D))
    mesh = plsc.VectorSubcoreMesh(core_axis_name="c", subcore_axis_name="s")

    kern = pl.kernel(
        functools.partial(_sc_body, L=L, D=D, n=n, NW=NW, HT_PER_W=HT_PER_W),
        out_type=(
            jax.ShapeDtypeStruct((B * n, D), jnp.float32),
            jax.ShapeDtypeStruct((B * n,), jnp.float32),
        ),
        mesh=mesh,
        scratch_types=(
            pltpu.VMEM((nch, _ROWS_CHUNK), jnp.int32),
            pltpu.VMEM((_NBUF, _ROWS_CHUNK, D), jnp.float32),
            pltpu.VMEM((tch, _TS_CHUNK), jnp.int32),
            pltpu.VMEM((tch, _TS_CHUNK), jnp.float32),
            pltpu.VMEM((HT_PER_W, D), jnp.float32),
            pltpu.VMEM((HT_PER_W,), jnp.int32),
            pltpu.VMEM((HT_PER_W,), jnp.int32),
            pltpu.VMEM((HT_PER_W,), jnp.float32),
        ) + (pltpu.SemaphoreType.DMA,) * 9,
    )
    return kern(
        x2,
        tsf,
        tsf.reshape(-1, _TS_CHUNK),
        oidxf.reshape(-1, _ROWS_CHUNK),
        oidxf.reshape(-1, _TS_CHUNK),
        htgf,
        htpf,
        tok_rows,
    )



def kernel(x, timestamps, ht_positions, token):
    B, L, D = x.shape
    R = ht_positions.shape[1]
    n = L + R
    htp = ht_positions.astype(jnp.int32)

    oidx, htg, cq, isht = _run_meta(htp, B, L, R, n)
    new_x2, new_ts2 = _run_sc(
        x.reshape(B * L, D),
        timestamps.reshape(B * L),
        oidx.reshape(B * L),
        htg.reshape(B * R),
        htp.reshape(B * R),
        token,
        B, L, D, R, n,
    )
    mask = _run_mask(htp.reshape(B, 1, R), cq, isht, B, R, n, PR=128)
    return new_x2.reshape(B, n, D), new_ts2.reshape(B, n), mask.view(jnp.bool_)

# --- scband reference (transcript-rebuilt; emitter-appended) ---
"""Pipeline reference for scband-htstrategy-impl-71227737636912 (READ-ONLY COPY).

The authoritative reference and input builder live on the scoring server;
editing this copy changes nothing except your own understanding.
"""

import jax, jax.numpy as jnp
import numpy as np

B, L, D, R = 4, 2048, 1024, 128


def batch_nonzero(x, r):
    # x: bool (b, n). Stable descending argsort of the 0/1 indicator, keep first r.
    nz = (x > 0).astype(jnp.int32)
    order = jnp.argsort(-nz, axis=1, stable=True)
    return order[:, :r]


def make_ht_attention_mask(length, ht_positions):
    # Faithful port of make_ht_attention_mask with active_tokens='last' (token_selection='last'),
    # use_ht_mask=None. Returns (mask, order) where order is the insertion permutation.
    l = length
    b, r = ht_positions.shape
    rows = jnp.arange(b)[:, None]
    ht_positions_mask = jnp.zeros((b, l), dtype=bool).at[rows, ht_positions].set(True)
    shifted = jnp.concatenate([jnp.zeros((b, 1), jnp.int32), ht_positions_mask[:, :-1].astype(jnp.int32)], axis=1)
    n_active_tokens = jnp.cumsum(shifted, axis=1)
    active_tokens = n_active_tokens  # 'last' mode
    bounds = jnp.concatenate([jnp.zeros((b, 1), ht_positions.dtype), ht_positions + 1], axis=1)  # (b, r+1)
    n_summarize = jnp.take_along_axis(bounds, active_tokens.astype(ht_positions.dtype), axis=1)
    selected_tokens = active_tokens - 1
    mask_ll = jnp.broadcast_to(jnp.arange(l)[None, None, :] < n_summarize[:, :, None], (b, l, l))
    mask_rr = jnp.broadcast_to((~jnp.eye(r, dtype=bool))[None], (b, r, r))
    clipped = jnp.clip(selected_tokens, 0)
    # scatter False at index clipped along dim 2; rows with selected == -1 become all True
    mask_lr = jnp.where(selected_tokens[:, :, None] == -1, True,
                        jnp.arange(r)[None, None, :] != clipped[:, :, None])
    mask_rl = jnp.zeros((b, r, l), dtype=bool)
    ht_idx = jnp.arange(1, 1 + r)[None, :] + ht_positions
    ht_mask = jnp.zeros((b, l + r), dtype=bool).at[rows, ht_idx].set(True)
    real_mask = ~ht_mask
    order = jnp.argsort(jnp.concatenate([batch_nonzero(real_mask, l), batch_nonzero(ht_mask, r)], axis=1), axis=1)
    mask = jnp.concatenate([jnp.concatenate([mask_ll, mask_lr], 2), jnp.concatenate([mask_rl, mask_rr], 2)], 1)
    mask = jnp.take_along_axis(mask, order[:, :, None], axis=1)
    mask = jnp.take_along_axis(mask, order[:, None, :], axis=2)
    return mask, order


def setup_inputs(seed: int = 0) -> dict:
    key = jax.random.key(seed)
    k1, k2, k3, k4 = jax.random.split(key, 4)
    x = jax.random.normal(k1, (B, L, D), dtype=jnp.float32)
    timestamps = jnp.sort(jax.random.uniform(k2, (B, L), dtype=jnp.float32) * 1000.0, axis=1)
    hp_keys = jax.random.split(k3, B)
    ht_positions = jnp.stack([jnp.sort(jax.random.choice(hp_keys[i], L, shape=(R,), replace=False))
                              for i in range(B)], axis=0)
    token = jax.random.normal(k4, (D,), dtype=jnp.float32)  # learned HT parameter (n_embd,)
    return {"x": x, "timestamps": timestamps, "ht_positions": ht_positions, "token": token}


def reference(x, timestamps, ht_positions, token):
    b, l, d = x.shape
    r = ht_positions.shape[1]
    mask, order = make_ht_attention_mask(l, ht_positions)
    # insert_tokens: place the learned HT token right after each selected position
    full_x = jnp.concatenate([x, jnp.broadcast_to(token[None, None, :], (b, r, d))], axis=1)
    new_x = jnp.take_along_axis(full_x, order[:, :, None], axis=1)
    ht_ts = jnp.take_along_axis(timestamps, ht_positions, axis=1)
    full_ts = jnp.concatenate([timestamps, ht_ts], axis=1)
    new_timestamps = jnp.take_along_axis(full_ts, order, axis=1)
    return new_x, new_timestamps, mask

if __name__ == "__main__":
    import jax
    _d = setup_inputs()
    print(jax.jit(kernel)(*tuple(_d.values())))

</pallas_src>

<mosaic_0001>
#map = affine_map<(d0, d1) -> (0, 0)>
#map1 = affine_map<(d0, d1) -> (0)>
module attributes {stable_mosaic.version = 14 : i64} {
  func.func @_sc_body(%arg0: i32, %arg1: i32, %arg2: memref<8192x1024xf32, #tpu.memory_space<hbm>>, %arg3: memref<8192xf32, #tpu.memory_space<hbm>>, %arg4: memref<64x128xf32, #tpu.memory_space<hbm>>, %arg5: memref<256x32xi32, #tpu.memory_space<hbm>>, %arg6: memref<64x128xi32, #tpu.memory_space<hbm>>, %arg7: memref<512xi32, #tpu.memory_space<hbm>>, %arg8: memref<512xi32, #tpu.memory_space<hbm>>, %arg9: memref<16x1024xf32, #tpu.memory_space<hbm>>, %arg10: memref<8704x1024xf32, #tpu.memory_space<hbm>>, %arg11: memref<8704xf32, #tpu.memory_space<hbm>>, %arg12: memref<8x32xi32, #tpu.memory_space<vmem>>, %arg13: memref<3x32x1024xf32, #tpu.memory_space<vmem>>, %arg14: memref<2x128xi32, #tpu.memory_space<vmem>>, %arg15: memref<2x128xf32, #tpu.memory_space<vmem>>, %arg16: memref<16x1024xf32, #tpu.memory_space<vmem>>, %arg17: memref<16xi32, #tpu.memory_space<vmem>>, %arg18: memref<16xi32, #tpu.memory_space<vmem>>, %arg19: memref<16xf32, #tpu.memory_space<vmem>>, %arg20: memref<!tpu.dma_semaphore, #tpu.memory_space<semaphore_mem>>, %arg21: memref<!tpu.dma_semaphore, #tpu.memory_space<semaphore_mem>>, %arg22: memref<!tpu.dma_semaphore, #tpu.memory_space<semaphore_mem>>, %arg23: memref<!tpu.dma_semaphore, #tpu.memory_space<semaphore_mem>>, %arg24: memref<!tpu.dma_semaphore, #tpu.memory_space<semaphore_mem>>, %arg25: memref<!tpu.dma_semaphore, #tpu.memory_space<semaphore_mem>>, %arg26: memref<!tpu.dma_semaphore, #tpu.memory_space<semaphore_mem>>, %arg27: memref<!tpu.dma_semaphore, #tpu.memory_space<semaphore_mem>>, %arg28: memref<!tpu.dma_semaphore, #tpu.memory_space<semaphore_mem>>) attributes {dimension_semantics = [#tpu.dimension_semantics<core_parallel>, #tpu.dimension_semantics<subcore_parallel>], iteration_bounds = array<i64: 2, 16>, scalar_prefetch = 0 : i64, scratch_operands = 17 : i64, tpu.core_type = #tpu.core_type<sc_vector_subcore>, window_params = [{transform_indices = #map}, {transform_indices = #map1}, {transform_indices = #map}, {transform_indices = #map}, {transform_indices = #map}, {transform_indices = #map1}, {transform_indices = #map1}, {transform_indices = #map}, {transform_indices = #map}, {transform_indices = #map1}]} {
    %mul3A = arith.constant 2 : i32
    %mul3A_0 = arith.muli %arg1, %mul3A : i32
    %add3A = arith.addi %mul3A_0, %arg0 : i32
    %mul3A_1 = arith.constant 256 : i32
    %mul3A_2 = arith.muli %add3A, %mul3A_1 : i32
    %mul3A_3 = arith.constant 16 : i32
    %mul3A_4 = arith.muli %add3A, %mul3A_3 : i32
    %jit3A = arith.constant 128 : i32
    %div3A = arith.divsi %mul3A_4, %jit3A : i32
    %sign3A = arith.constant 0 : i32
    %sign3A_5 = arith.cmpi sgt, %mul3A_4, %sign3A : i32
    %sign3A_6 = arith.extui %sign3A_5 : i1 to i32
    %sign3A_7 = arith.constant 0 : i32
    %sign3A_8 = arith.cmpi slt, %mul3A_4, %sign3A_7 : i32
    %sign3A_9 = arith.extui %sign3A_8 : i1 to i32
    %sign3A_10 = arith.subi %sign3A_6, %sign3A_9 : i32
    %sign3A_11 = arith.constant 0 : i32
    %sign3A_12 = arith.cmpi sgt, %jit3A, %sign3A_11 : i32
    %sign3A_13 = arith.extui %sign3A_12 : i1 to i32
    %sign3A_14 = arith.constant 0 : i32
    %sign3A_15 = arith.cmpi slt, %jit3A, %sign3A_14 : i32
    %sign3A_16 = arith.extui %sign3A_15 : i1 to i32
    %sign3A_17 = arith.subi %sign3A_13, %sign3A_16 : i32
    %ne3A = arith.cmpi ne, %sign3A_10, %sign3A_17 : i32
    %rem3A = arith.remsi %mul3A_4, %jit3A : i32
    %ne3A_18 = arith.constant 0 : i32
    %ne3A_19 = arith.cmpi ne, %rem3A, %ne3A_18 : i32
    %and3A = arith.andi %ne3A, %ne3A_19 : i1
    %sub3A = arith.constant 1 : i32
    %sub3A_20 = arith.subi %div3A, %sub3A : i32
    %select_n3A = arith.select %and3A, %sub3A_20, %div3A : i32
    %mul3A_21 = arith.constant 2 : i32
    %mul3A_22 = arith.muli %add3A, %mul3A_21 : i32
    %dma_start3A = arith.constant 0 : i32
    %dma_start3A_23 = tpu.memref_slice %arg6[%mul3A_22, %dma_start3A] : memref<64x128xi32, #tpu.memory_space<hbm>> -> memref<2x128xi32, #tpu.memory_space<hbm>>
    %dma_start3A_24 = arith.constant 0 : i32
    %dma_start3A_25 = tpu.memref_slice %arg6[%mul3A_22, %dma_start3A_24] : memref<64x128xi32, #tpu.memory_space<hbm>> -> memref<2x128xi32, #tpu.memory_space<hbm>>
    tpu.enqueue_dma source(%dma_start3A_25 : memref<2x128xi32, #tpu.memory_space<hbm>>) target(%arg14 : memref<2x128xi32, #tpu.memory_space<vmem>>) target_semaphore(%arg28 : memref<!tpu.dma_semaphore, #tpu.memory_space<semaphore_mem>>)
    %mul3A_26 = arith.constant 2 : i32
    %mul3A_27 = arith.muli %add3A, %mul3A_26 : i32
    %dma_start3A_28 = arith.constant 0 : i32
    %dma_start3A_29 = tpu.memref_slice %arg4[%mul3A_27, %dma_start3A_28] : memref<64x128xf32, #tpu.memory_space<hbm>> -> memref<2x128xf32, #tpu.memory_space<hbm>>
    %dma_start3A_30 = arith.constant 0 : i32
    %dma_start3A_31 = tpu.memref_slice %arg4[%mul3A_27, %dma_start3A_30] : memref<64x128xf32, #tpu.memory_space<hbm>> -> memref<2x128xf32, #tpu.memory_space<hbm>>
    tpu.enqueue_dma source(%dma_start3A_31 : memref<2x128xf32, #tpu.memory_space<hbm>>) target(%arg15 : memref<2x128xf32, #tpu.memory_space<vmem>>) target_semaphore(%arg28 : memref<!tpu.dma_semaphore, #tpu.memory_space<semaphore_mem>>)
    %mul3A_32 = arith.constant 16 : i32
    %mul3A_33 = arith.muli %add3A, %mul3A_32 : i32
    %dma_start3A_34 = tpu.memref_slice %arg7[%mul3A_33] : memref<512xi32, #tpu.memory_space<hbm>> -> memref<16xi32, #tpu.memory_space<hbm>>
    %dma_start3A_35 = tpu.memref_slice %arg7[%mul3A_33] : memref<512xi32, #tpu.memory_space<hbm>> -> memref<16xi32, #tpu.memory_space<hbm>>
    tpu.enqueue_dma source(%dma_start3A_35 : memref<16xi32, #tpu.memory_space<hbm>>) target(%arg17 : memref<16xi32, #tpu.memory_space<vmem>>) target_semaphore(%arg28 : memref<!tpu.dma_semaphore, #tpu.memory_space<semaphore_mem>>)
    tpu.enqueue_dma source(%arg9 : memref<16x1024xf32, #tpu.memory_space<hbm>>) target(%arg16 : memref<16x1024xf32, #tpu.memory_space<vmem>>) target_semaphore(%arg28 : memref<!tpu.dma_semaphore, #tpu.memory_space<semaphore_mem>>)
    %mul3A_36 = arith.constant 16 : i32
    %mul3A_37 = arith.muli %add3A, %mul3A_36 : i32
    %dma_start3A_38 = tpu.memref_slice %arg8[%mul3A_37] : memref<512xi32, #tpu.memory_space<hbm>> -> memref<16xi32, #tpu.memory_space<hbm>>
    %dma_start3A_39 = tpu.memref_slice %arg8[%mul3A_37] : memref<512xi32, #tpu.memory_space<hbm>> -> memref<16xi32, #tpu.memory_space<hbm>>
    tpu.enqueue_dma source(%dma_start3A_39 : memref<16xi32, #tpu.memory_space<hbm>>) target(%arg18 : memref<16xi32, #tpu.memory_space<vmem>>) target_semaphore(%arg28 : memref<!tpu.dma_semaphore, #tpu.memory_space<semaphore_mem>>)
    %mul3A_40 = arith.constant 8 : i32
    %mul3A_41 = arith.muli %add3A, %mul3A_40 : i32
    "tpu.region"() ({
      %run_scoped3A = tpu.sem_alloc : memref<!tpu.dma_semaphore, #tpu.memory_space<semaphore_mem>>
      %dma_start3A_529 = arith.constant 0 : i32
      %dma_start3A_530 = tpu.memref_slice %arg5[%mul3A_41, %dma_start3A_529] : memref<256x32xi32, #tpu.memory_space<hbm>> -> memref<8x32xi32, #tpu.memory_space<hbm>>
      %dma_start3A_531 = arith.constant 0 : i32
      %dma_start3A_532 = tpu.memref_slice %arg5[%mul3A_41, %dma_start3A_531] : memref<256x32xi32, #tpu.memory_space<hbm>> -> memref<8x32xi32, #tpu.memory_space<hbm>>
      tpu.enqueue_dma source(%dma_start3A_532 : memref<8x32xi32, #tpu.memory_space<hbm>>) target(%arg12 : memref<8x32xi32, #tpu.memory_space<vmem>>) target_semaphore(%run_scoped3A : memref<!tpu.dma_semaphore, #tpu.memory_space<semaphore_mem>>)
      %dma_wait3A_533 = arith.constant 0 : i32
      %dma_wait3A_534 = tpu.memref_slice %arg5[%mul3A_41, %dma_wait3A_533] : memref<256x32xi32, #tpu.memory_space<hbm>> -> memref<8x32xi32, #tpu.memory_space<hbm>>
      %dma_wait3A_535 = arith.constant 0 : i32
      %dma_wait3A_536 = tpu.memref_slice %arg5[%mul3A_41, %dma_wait3A_535] : memref<256x32xi32, #tpu.memory_space<hbm>> -> memref<8x32xi32, #tpu.memory_space<hbm>>
      tpu.wait_dma2 semaphore(%run_scoped3A : memref<!tpu.dma_semaphore, #tpu.memory_space<semaphore_mem>>) src(%dma_wait3A_536 : memref<8x32xi32, #tpu.memory_space<hbm>>) dst(%arg12 : memref<8x32xi32, #tpu.memory_space<vmem>>)
      tpu.yield
    }) : () -> ()
    %add3A_42 = arith.constant 0 : i32
    %add3A_43 = arith.addi %mul3A_2, %add3A_42 : i32
    %dma_start3A_44 = arith.constant 0 : i32
    %dma_start3A_45 = arith.constant 0 : i32
    %dma_start3A_46 = arith.constant 0 : i32
    %dma_start3A_47 = tpu.memref_slice %arg13[%dma_start3A_44, %dma_start3A_45, %dma_start3A_46] : memref<3x32x1024xf32, #tpu.memory_space<vmem>> -> memref<1x32x1024xf32, #tpu.memory_space<vmem>>
    %dma_start3A_48 = tpu.memref_squeeze %dma_start3A_47 : memref<1x32x1024xf32, #tpu.memory_space<vmem>> -> memref<32x1024xf32, #tpu.memory_space<vmem>>
    %dma_start3A_49 = arith.constant 0 : i32
    %dma_start3A_50 = tpu.memref_slice %arg2[%add3A_43, %dma_start3A_49] : memref<8192x1024xf32, #tpu.memory_space<hbm>> -> memref<32x1024xf32, #tpu.memory_space<hbm>>
    %dma_start3A_51 = arith.constant 0 : i32
    %dma_start3A_52 = arith.constant 0 : i32
    %dma_start3A_53 = tpu.memref_slice %arg13[%dma_start3A_44, %dma_start3A_51, %dma_start3A_52] : memref<3x32x1024xf32, #tpu.memory_space<vmem>> -> memref<1x32x1024xf32, #tpu.memory_space<vmem>>
    %dma_start3A_54 = tpu.memref_squeeze %dma_start3A_53 : memref<1x32x1024xf32, #tpu.memory_space<vmem>> -> memref<32x1024xf32, #tpu.memory_space<vmem>>
    %dma_start3A_55 = arith.constant 0 : i32
    %dma_start3A_56 = tpu.memref_slice %arg2[%add3A_43, %dma_start3A_55] : memref<8192x1024xf32, #tpu.memory_space<hbm>> -> memref<32x1024xf32, #tpu.memory_space<hbm>>
    tpu.enqueue_dma source(%dma_start3A_56 : memref<32x1024xf32, #tpu.memory_space<hbm>>) target(%dma_start3A_54 : memref<32x1024xf32, #tpu.memory_space<vmem>>) target_semaphore(%arg20 : memref<!tpu.dma_semaphore, #tpu.memory_space<semaphore_mem>>)
    %add3A_57 = arith.constant 32 : i32
    %add3A_58 = arith.addi %mul3A_2, %add3A_57 : i32
    %dma_start3A_59 = arith.constant 1 : i32
    %dma_start3A_60 = arith.constant 0 : i32
    %dma_start3A_61 = arith.constant 0 : i32
    %dma_start3A_62 = tpu.memref_slice %arg13[%dma_start3A_59, %dma_start3A_60, %dma_start3A_61] : memref<3x32x1024xf32, #tpu.memory_space<vmem>> -> memref<1x32x1024xf32, #tpu.memory_space<vmem>>
    %dma_start3A_63 = tpu.memref_squeeze %dma_start3A_62 : memref<1x32x1024xf32, #tpu.memory_space<vmem>> -> memref<32x1024xf32, #tpu.memory_space<vmem>>
    %dma_start3A_64 = arith.constant 0 : i32
    %dma_start3A_65 = tpu.memref_slice %arg2[%add3A_58, %dma_start3A_64] : memref<8192x1024xf32, #tpu.memory_space<hbm>> -> memref<32x1024xf32, #tpu.memory_space<hbm>>
    %dma_start3A_66 = arith.constant 0 : i32
    %dma_start3A_67 = arith.constant 0 : i32
    %dma_start3A_68 = tpu.memref_slice %arg13[%dma_start3A_59, %dma_start3A_66, %dma_start3A_67] : memref<3x32x1024xf32, #tpu.memory_space<vmem>> -> memref<1x32x1024xf32, #tpu.memory_space<vmem>>
    %dma_start3A_69 = tpu.memref_squeeze %dma_start3A_68 : memref<1x32x1024xf32, #tpu.memory_space<vmem>> -> memref<32x1024xf32, #tpu.memory_space<vmem>>
    %dma_start3A_70 = arith.constant 0 : i32
    %dma_start3A_71 = tpu.memref_slice %arg2[%add3A_58, %dma_start3A_70] : memref<8192x1024xf32, #tpu.memory_space<hbm>> -> memref<32x1024xf32, #tpu.memory_space<hbm>>
    tpu.enqueue_dma source(%dma_start3A_71 : memref<32x1024xf32, #tpu.memory_space<hbm>>) target(%dma_start3A_69 : memref<32x1024xf32, #tpu.memory_space<vmem>>) target_semaphore(%arg21 : memref<!tpu.dma_semaphore, #tpu.memory_space<semaphore_mem>>)
    %dma_wait3A = arith.constant 0 : i32
    %dma_wait3A_72 = arith.constant 0 : i32
    %dma_wait3A_73 = arith.constant 0 : i32
    %dma_wait3A_74 = tpu.memref_slice %arg13[%dma_wait3A, %dma_wait3A_72, %dma_wait3A_73] : memref<3x32x1024xf32, #tpu.memory_space<vmem>> -> memref<1x32x1024xf32, #tpu.memory_space<vmem>>
    %dma_wait3A_75 = tpu.memref_squeeze %dma_wait3A_74 : memref<1x32x1024xf32, #tpu.memory_space<vmem>> -> memref<32x1024xf32, #tpu.memory_space<vmem>>
    %dma_wait3A_76 = arith.constant 0 : i32
    %dma_wait3A_77 = tpu.memref_slice %arg2[%add3A_43, %dma_wait3A_76] : memref<8192x1024xf32, #tpu.memory_space<hbm>> -> memref<32x1024xf32, #tpu.memory_space<hbm>>
    %dma_wait3A_78 = arith.constant 0 : i32
    %dma_wait3A_79 = arith.constant 0 : i32
    %dma_wait3A_80 = tpu.memref_slice %arg13[%dma_wait3A, %dma_wait3A_78, %dma_wait3A_79] : memref<3x32x1024xf32, #tpu.memory_space<vmem>> -> memref<1x32x1024xf32, #tpu.memory_space<vmem>>
    %dma_wait3A_81 = tpu.memref_squeeze %dma_wait3A_80 : memref<1x32x1024xf32, #tpu.memory_space<vmem>> -> memref<32x1024xf32, #tpu.memory_space<vmem>>
    %dma_wait3A_82 = arith.constant 0 : i32
    %dma_wait3A_83 = tpu.memref_slice %arg2[%add3A_43, %dma_wait3A_82] : memref<8192x1024xf32, #tpu.memory_space<hbm>> -> memref<32x1024xf32, #tpu.memory_space<hbm>>
    tpu.wait_dma2 semaphore(%arg20 : memref<!tpu.dma_semaphore, #tpu.memory_space<semaphore_mem>>) src(%dma_wait3A_83 : memref<32x1024xf32, #tpu.memory_space<hbm>>) dst(%dma_wait3A_81 : memref<32x1024xf32, #tpu.memory_space<vmem>>)
    %dma_start3A_84 = arith.constant 0 : i32
    %dma_start3A_85 = arith.constant 0 : i32
    %dma_start3A_86 = arith.constant 0 : i32
    %dma_start3A_87 = arith.constant 0 : i32
    %dma_start3A_88 = tpu.memref_slice %arg13[%dma_start3A_84, %dma_start3A_86, %dma_start3A_87] : memref<3x32x1024xf32, #tpu.memory_space<vmem>> -> memref<1x32x1024xf32, #tpu.memory_space<vmem>>
    %dma_start3A_89 = tpu.memref_squeeze %dma_start3A_88 : memref<1x32x1024xf32, #tpu.memory_space<vmem>> -> memref<32x1024xf32, #tpu.memory_space<vmem>>
    %dma_start3A_90 = arith.constant 0 : i32
    %dma_start3A_91 = tpu.memref_slice %arg12[%dma_start3A_85, %dma_start3A_90] : memref<8x32xi32, #tpu.memory_space<vmem>> -> memref<1x32xi32, #tpu.memory_space<vmem>>
    %dma_start3A_92 = tpu.memref_squeeze %dma_start3A_91 : memref<1x32xi32, #tpu.memory_space<vmem>> -> memref<32xi32, #tpu.memory_space<vmem>>
    %dma_start3A_93 = arith.constant 0 : i32
    %dma_start3A_94 = arith.constant 0 : i32
    %dma_start3A_95 = tpu.memref_slice %arg10[%dma_start3A_93, %dma_start3A_94] : memref<8704x1024xf32, #tpu.memory_space<hbm>> -> memref<8704x1024xf32, #tpu.memory_space<hbm>>
    tpu.enqueue_indirect_dma source(%dma_start3A_89 : memref<32x1024xf32, #tpu.memory_space<vmem>>) target(%dma_start3A_95 : memref<8704x1024xf32, #tpu.memory_space<hbm>>) offsets(%dma_start3A_92 : memref<32xi32, #tpu.memory_space<vmem>>) semaphore(%arg24 : memref<!tpu.dma_semaphore, #tpu.memory_space<semaphore_mem>>)
    %add3A_96 = arith.constant 64 : i32
    %add3A_97 = arith.addi %mul3A_2, %add3A_96 : i32
    %dma_start3A_98 = arith.constant 2 : i32
    %dma_start3A_99 = arith.constant 0 : i32
    %dma_start3A_100 = arith.constant 0 : i32
    %dma_start3A_101 = tpu.memref_slice %arg13[%dma_start3A_98, %dma_start3A_99, %dma_start3A_100] : memref<3x32x1024xf32, #tpu.memory_space<vmem>> -> memref<1x32x1024xf32, #tpu.memory_space<vmem>>
    %dma_start3A_102 = tpu.memref_squeeze %dma_start3A_101 : memref<1x32x1024xf32, #tpu.memory_space<vmem>> -> memref<32x1024xf32, #tpu.memory_space<vmem>>
    %dma_start3A_103 = arith.constant 0 : i32
    %dma_start3A_104 = tpu.memref_slice %arg2[%add3A_97, %dma_start3A_103] : memref<8192x1024xf32, #tpu.memory_space<hbm>> -> memref<32x1024xf32, #tpu.memory_space<hbm>>
    %dma_start3A_105 = arith.constant 0 : i32
    %dma_start3A_106 = arith.constant 0 : i32
    %dma_start3A_107 = tpu.memref_slice %arg13[%dma_start3A_98, %dma_start3A_105, %dma_start3A_106] : memref<3x32x1024xf32, #tpu.memory_space<vmem>> -> memref<1x32x1024xf32, #tpu.memory_space<vmem>>
    %dma_start3A_108 = tpu.memref_squeeze %dma_start3A_107 : memref<1x32x1024xf32, #tpu.memory_space<vmem>> -> memref<32x1024xf32, #tpu.memory_space<vmem>>
    %dma_start3A_109 = arith.constant 0 : i32
    %dma_start3A_110 = tpu.memref_slice %arg2[%add3A_97, %dma_start3A_109] : memref<8192x1024xf32, #tpu.memory_space<hbm>> -> memref<32x1024xf32, #tpu.memory_space<hbm>>
    tpu.enqueue_dma source(%dma_start3A_110 : memref<32x1024xf32, #tpu.memory_space<hbm>>) target(%dma_start3A_108 : memref<32x1024xf32, #tpu.memory_space<vmem>>) target_semaphore(%arg22 : memref<!tpu.dma_semaphore, #tpu.memory_space<semaphore_mem>>)
    %dma_wait3A_111 = arith.constant 1 : i32
    %dma_wait3A_112 = arith.constant 0 : i32
    %dma_wait3A_113 = arith.constant 0 : i32
    %dma_wait3A_114 = tpu.memref_slice %arg13[%dma_wait3A_111, %dma_wait3A_112, %dma_wait3A_113] : memref<3x32x1024xf32, #tpu.memory_space<vmem>> -> memref<1x32x1024xf32, #tpu.memory_space<vmem>>
    %dma_wait3A_115 = tpu.memref_squeeze %dma_wait3A_114 : memref<1x32x1024xf32, #tpu.memory_space<vmem>> -> memref<32x1024xf32, #tpu.memory_space<vmem>>
    %dma_wait3A_116 = arith.constant 0 : i32
    %dma_wait3A_117 = tpu.memref_slice %arg2[%add3A_58, %dma_wait3A_116] : memref<8192x1024xf32, #tpu.memory_space<hbm>> -> memref<32x1024xf32, #tpu.memory_space<hbm>>
    %dma_wait3A_118 = arith.constant 0 : i32
    %dma_wait3A_119 = arith.constant 0 : i32
    %dma_wait3A_120 = tpu.memref_slice %arg13[%dma_wait3A_111, %dma_wait3A_118, %dma_wait3A_119] : memref<3x32x1024xf32, #tpu.memory_space<vmem>> -> memref<1x32x1024xf32, #tpu.memory_space<vmem>>
    %dma_wait3A_121 = tpu.memref_squeeze %dma_wait3A_120 : memref<1x32x1024xf32, #tpu.memory_space<vmem>> -> memref<32x1024xf32, #tpu.memory_space<vmem>>
    %dma_wait3A_122 = arith.constant 0 : i32
    %dma_wait3A_123 = tpu.memref_slice %arg2[%add3A_58, %dma_wait3A_122] : memref<8192x1024xf32, #tpu.memory_space<hbm>> -> memref<32x1024xf32, #tpu.memory_space<hbm>>
    tpu.wait_dma2 semaphore(%arg21 : memref<!tpu.dma_semaphore, #tpu.memory_space<semaphore_mem>>) src(%dma_wait3A_123 : memref<32x1024xf32, #tpu.memory_space<hbm>>) dst(%dma_wait3A_121 : memref<32x1024xf32, #tpu.memory_space<vmem>>)
    %dma_start3A_124 = arith.constant 1 : i32
    %dma_start3A_125 = arith.constant 1 : i32
    %dma_start3A_126 = arith.constant 0 : i32
    %dma_start3A_127 = arith.constant 0 : i32
    %dma_start3A_128 = tpu.memref_slice %arg13[%dma_start3A_124, %dma_start3A_126, %dma_start3A_127] : memref<3x32x1024xf32, #tpu.memory_space<vmem>> -> memref<1x32x1024xf32, #tpu.memory_space<vmem>>
    %dma_start3A_129 = tpu.memref_squeeze %dma_start3A_128 : memref<1x32x1024xf32, #tpu.memory_space<vmem>> -> memref<32x1024xf32, #tpu.memory_space<vmem>>
    %dma_start3A_130 = arith.constant 0 : i32
    %dma_start3A_131 = tpu.memref_slice %arg12[%dma_start3A_125, %dma_start3A_130] : memref<8x32xi32, #tpu.memory_space<vmem>> -> memref<1x32xi32, #tpu.memory_space<vmem>>
    %dma_start3A_132 = tpu.memref_squeeze %dma_start3A_131 : memref<1x32xi32, #tpu.memory_space<vmem>> -> memref<32xi32, #tpu.memory_space<vmem>>
    %dma_start3A_133 = arith.constant 0 : i32
    %dma_start3A_134 = arith.constant 0 : i32
    %dma_start3A_135 = tpu.memref_slice %arg10[%dma_start3A_133, %dma_start3A_134] : memref<8704x1024xf32, #tpu.memory_space<hbm>> -> memref<8704x1024xf32, #tpu.memory_space<hbm>>
    tpu.enqueue_indirect_dma source(%dma_start3A_129 : memref<32x1024xf32, #tpu.memory_space<vmem>>) target(%dma_start3A_135 : memref<8704x1024xf32, #tpu.memory_space<hbm>>) offsets(%dma_start3A_132 : memref<32xi32, #tpu.memory_space<vmem>>) semaphore(%arg25 : memref<!tpu.dma_semaphore, #tpu.memory_space<semaphore_mem>>)
    %dma_wait3A_136 = arith.constant 0 : i32
    %dma_wait3A_137 = arith.constant 0 : i32
    %dma_wait3A_138 = arith.constant 0 : i32
    %dma_wait3A_139 = arith.constant 0 : i32
    %dma_wait3A_140 = tpu.memref_slice %arg13[%dma_wait3A_136, %dma_wait3A_138, %dma_wait3A_139] : memref<3x32x1024xf32, #tpu.memory_space<vmem>> -> memref<1x32x1024xf32, #tpu.memory_space<vmem>>
    %dma_wait3A_141 = tpu.memref_squeeze %dma_wait3A_140 : memref<1x32x1024xf32, #tpu.memory_space<vmem>> -> memref<32x1024xf32, #tpu.memory_space<vmem>>
    %dma_wait3A_142 = arith.constant 0 : i32
    %dma_wait3A_143 = tpu.memref_slice %arg12[%dma_wait3A_137, %dma_wait3A_142] : memref<8x32xi32, #tpu.memory_space<vmem>> -> memref<1x32xi32, #tpu.memory_space<vmem>>
    %dma_wait3A_144 = tpu.memref_squeeze %dma_wait3A_143 : memref<1x32xi32, #tpu.memory_space<vmem>> -> memref<32xi32, #tpu.memory_space<vmem>>
    %dma_wait3A_145 = arith.constant 0 : i32
    %dma_wait3A_146 = arith.constant 0 : i32
    %dma_wait3A_147 = tpu.memref_slice %arg10[%dma_wait3A_145, %dma_wait3A_146] : memref<8704x1024xf32, #tpu.memory_space<hbm>> -> memref<8704x1024xf32, #tpu.memory_space<hbm>>
    tpu.wait_indirect_dma semaphore(%arg24 : memref<!tpu.dma_semaphore, #tpu.memory_space<semaphore_mem>>) src(%dma_wait3A_141 : memref<32x1024xf32, #tpu.memory_space<vmem>>) dst(%dma_wait3A_147 : memref<8704x1024xf32, #tpu.memory_space<hbm>>)
    %add3A_148 = arith.constant 96 : i32
    %add3A_149 = arith.addi %mul3A_2, %add3A_148 : i32
    %dma_start3A_150 = arith.constant 0 : i32
    %dma_start3A_151 = arith.constant 0 : i32
    %dma_start3A_152 = arith.constant 0 : i32
    %dma_start3A_153 = tpu.memref_slice %arg13[%dma_start3A_150, %dma_start3A_151, %dma_start3A_152] : memref<3x32x1024xf32, #tpu.memory_space<vmem>> -> memref<1x32x1024xf32, #tpu.memory_space<vmem>>
    %dma_start3A_154 = tpu.memref_squeeze %dma_start3A_153 : memref<1x32x1024xf32, #tpu.memory_space<vmem>> -> memref<32x1024xf32, #tpu.memory_space<vmem>>
    %dma_start3A_155 = arith.constant 0 : i32
    %dma_start3A_156 = tpu.memref_slice %arg2[%add3A_149, %dma_start3A_155] : memref<8192x1024xf32, #tpu.memory_space<hbm>> -> memref<32x1024xf32, #tpu.memory_space<hbm>>
    %dma_start3A_157 = arith.constant 0 : i32
    %dma_start3A_158 = arith.constant 0 : i32
    %dma_start3A_159 = tpu.memref_slice %arg13[%dma_start3A_150, %dma_start3A_157, %dma_start3A_158] : memref<3x32x1024xf32, #tpu.memory_space<vmem>> -> memref<1x32x1024xf32, #tpu.memory_space<vmem>>
    %dma_start3A_160 = tpu.memref_squeeze %dma_start3A_159 : memref<1x32x1024xf32, #tpu.memory_space<vmem>> -> memref<32x1024xf32, #tpu.memory_space<vmem>>
    %dma_start3A_161 = arith.constant 0 : i32
    %dma_start3A_162 = tpu.memref_slice %arg2[%add3A_149, %dma_start3A_161] : memref<8192x1024xf32, #tpu.memory_space<hbm>> -> memref<32x1024xf32, #tpu.memory_space<hbm>>
    tpu.enqueue_dma source(%dma_start3A_162 : memref<32x1024xf32, #tpu.memory_space<hbm>>) target(%dma_start3A_160 : memref<32x1024xf32, #tpu.memory_space<vmem>>) target_semaphore(%arg20 : memref<!tpu.dma_semaphore, #tpu.memory_space<semaphore_mem>>)
    %dma_wait3A_163 = arith.constant 2 : i32
    %dma_wait3A_164 = arith.constant 0 : i32
    %dma_wait3A_165 = arith.constant 0 : i32
    %dma_wait3A_166 = tpu.memref_slice %arg13[%dma_wait3A_163, %dma_wait3A_164, %dma_wait3A_165] : memref<3x32x1024xf32, #tpu.memory_space<vmem>> -> memref<1x32x1024xf32, #tpu.memory_space<vmem>>
    %dma_wait3A_167 = tpu.memref_squeeze %dma_wait3A_166 : memref<1x32x1024xf32, #tpu.memory_space<vmem>> -> memref<32x1024xf32, #tpu.memory_space<vmem>>
    %dma_wait3A_168 = arith.constant 0 : i32
    %dma_wait3A_169 = tpu.memref_slice %arg2[%add3A_97, %dma_wait3A_168] : memref<8192x1024xf32, #tpu.memory_space<hbm>> -> memref<32x1024xf32, #tpu.memory_space<hbm>>
    %dma_wait3A_170 = arith.constant 0 : i32
    %dma_wait3A_171 = arith.constant 0 : i32
    %dma_wait3A_172 = tpu.memref_slice %arg13[%dma_wait3A_163, %dma_wait3A_170, %dma_wait3A_171] : memref<3x32x1024xf32, #tpu.memory_space<vmem>> -> memref<1x32x1024xf32, #tpu.memory_space<vmem>>
    %dma_wait3A_173 = tpu.memref_squeeze %dma_wait3A_172 : memref<1x32x1024xf32, #tpu.memory_space<vmem>> -> memref<32x1024xf32, #tpu.memory_space<vmem>>
    %dma_wait3A_174 = arith.constant 0 : i32
    %dma_wait3A_175 = tpu.memref_slice %arg2[%add3A_97, %dma_wait3A_174] : memref<8192x1024xf32, #tpu.memory_space<hbm>> -> memref<32x1024xf32, #tpu.memory_space<hbm>>
    tpu.wait_dma2 semaphore(%arg22 : memref<!tpu.dma_semaphore, #tpu.memory_space<semaphore_mem>>) src(%dma_wait3A_175 : memref<32x1024xf32, #tpu.memory_space<hbm>>) dst(%dma_wait3A_173 : memref<32x1024xf32, #tpu.memory_space<vmem>>)
    %dma_start3A_176 = arith.constant 2 : i32
    %dma_start3A_177 = arith.constant 2 : i32
    %dma_start3A_178 = arith.constant 0 : i32
    %dma_start3A_179 = arith.constant 0 : i32
    %dma_start3A_180 = tpu.memref_slice %arg13[%dma_start3A_176, %dma_start3A_178, %dma_start3A_179] : memref<3x32x1024xf32, #tpu.memory_space<vmem>> -> memref<1x32x1024xf32, #tpu.memory_space<vmem>>
    %dma_start3A_181 = tpu.memref_squeeze %dma_start3A_180 : memref<1x32x1024xf32, #tpu.memory_space<vmem>> -> memref<32x1024xf32, #tpu.memory_space<vmem>>
    %dma_start3A_182 = arith.constant 0 : i32
    %dma_start3A_183 = tpu.memref_slice %arg12[%dma_start3A_177, %dma_start3A_182] : memref<8x32xi32, #tpu.memory_space<vmem>> -> memref<1x32xi32, #tpu.memory_space<vmem>>
    %dma_start3A_184 = tpu.memref_squeeze %dma_start3A_183 : memref<1x32xi32, #tpu.memory_space<vmem>> -> memref<32xi32, #tpu.memory_space<vmem>>
    %dma_start3A_185 = arith.constant 0 : i32
    %dma_start3A_186 = arith.constant 0 : i32
    %dma_start3A_187 = tpu.memref_slice %arg10[%dma_start3A_185, %dma_start3A_186] : memref<8704x1024xf32, #tpu.memory_space<hbm>> -> memref<8704x1024xf32, #tpu.memory_space<hbm>>
    tpu.enqueue_indirect_dma source(%dma_start3A_181 : memref<32x1024xf32, #tpu.memory_space<vmem>>) target(%dma_start3A_187 : memref<8704x1024xf32, #tpu.memory_space<hbm>>) offsets(%dma_start3A_184 : memref<32xi32, #tpu.memory_space<vmem>>) semaphore(%arg26 : memref<!tpu.dma_semaphore, #tpu.memory_space<semaphore_mem>>)
    %dma_wait3A_188 = arith.constant 1 : i32
    %dma_wait3A_189 = arith.constant 1 : i32
    %dma_wait3A_190 = arith.constant 0 : i32
    %dma_wait3A_191 = arith.constant 0 : i32
    %dma_wait3A_192 = tpu.memref_slice %arg13[%dma_wait3A_188, %dma_wait3A_190, %dma_wait3A_191] : memref<3x32x1024xf32, #tpu.memory_space<vmem>> -> memref<1x32x1024xf32, #tpu.memory_space<vmem>>
    %dma_wait3A_193 = tpu.memref_squeeze %dma_wait3A_192 : memref<1x32x1024xf32, #tpu.memory_space<vmem>> -> memref<32x1024xf32, #tpu.memory_space<vmem>>
    %dma_wait3A_194 = arith.constant 0 : i32
    %dma_wait3A_195 = tpu.memref_slice %arg12[%dma_wait3A_189, %dma_wait3A_194] : memref<8x32xi32, #tpu.memory_space<vmem>> -> memref<1x32xi32, #tpu.memory_space<vmem>>
    %dma_wait3A_196 = tpu.memref_squeeze %dma_wait3A_195 : memref<1x32xi32, #tpu.memory_space<vmem>> -> memref<32xi32, #tpu.memory_space<vmem>>
    %dma_wait3A_197 = arith.constant 0 : i32
    %dma_wait3A_198 = arith.constant 0 : i32
    %dma_wait3A_199 = tpu.memref_slice %arg10[%dma_wait3A_197, %dma_wait3A_198] : memref<8704x1024xf32, #tpu.memory_space<hbm>> -> memref<8704x1024xf32, #tpu.memory_space<hbm>>
    tpu.wait_indirect_dma semaphore(%arg25 : memref<!tpu.dma_semaphore, #tpu.memory_space<semaphore_mem>>) src(%dma_wait3A_193 : memref<32x1024xf32, #tpu.memory_space<vmem>>) dst(%dma_wait3A_199 : memref<8704x1024xf32, #tpu.memory_space<hbm>>)
    %add3A_200 = arith.constant 128 : i32
    %add3A_201 = arith.addi %mul3A_2, %add3A_200 : i32
    %dma_start3A_202 = arith.constant 1 : i32
    %dma_start3A_203 = arith.constant 0 : i32
    %dma_start3A_204 = arith.constant 0 : i32
    %dma_start3A_205 = tpu.memref_slice %arg13[%dma_start3A_202, %dma_start3A_203, %dma_start3A_204] : memref<3x32x1024xf32, #tpu.memory_space<vmem>> -> memref<1x32x1024xf32, #tpu.memory_space<vmem>>
    %dma_start3A_206 = tpu.memref_squeeze %dma_start3A_205 : memref<1x32x1024xf32, #tpu.memory_space<vmem>> -> memref<32x1024xf32, #tpu.memory_space<vmem>>
    %dma_start3A_207 = arith.constant 0 : i32
    %dma_start3A_208 = tpu.memref_slice %arg2[%add3A_201, %dma_start3A_207] : memref<8192x1024xf32, #tpu.memory_space<hbm>> -> memref<32x1024xf32, #tpu.memory_space<hbm>>
    %dma_start3A_209 = arith.constant 0 : i32
    %dma_start3A_210 = arith.constant 0 : i32
    %dma_start3A_211 = tpu.memref_slice %arg13[%dma_start3A_202, %dma_start3A_209, %dma_start3A_210] : memref<3x32x1024xf32, #tpu.memory_space<vmem>> -> memref<1x32x1024xf32, #tpu.memory_space<vmem>>
    %dma_start3A_212 = tpu.memref_squeeze %dma_start3A_211 : memref<1x32x1024xf32, #tpu.memory_space<vmem>> -> memref<32x1024xf32, #tpu.memory_space<vmem>>
    %dma_start3A_213 = arith.constant 0 : i32
    %dma_start3A_214 = tpu.memref_slice %arg2[%add3A_201, %dma_start3A_213] : memref<8192x1024xf32, #tpu.memory_space<hbm>> -> memref<32x1024xf32, #tpu.memory_space<hbm>>
    tpu.enqueue_dma source(%dma_start3A_214 : memref<32x1024xf32, #tpu.memory_space<hbm>>) target(%dma_start3A_212 : memref<32x1024xf32, #tpu.memory_space<vmem>>) target_semaphore(%arg21 : memref<!tpu.dma_semaphore, #tpu.memory_space<semaphore_mem>>)
    %dma_wait3A_215 = arith.constant 0 : i32
    %dma_wait3A_216 = arith.constant 0 : i32
    %dma_wait3A_217 = arith.constant 0 : i32
    %dma_wait3A_218 = tpu.memref_slice %arg13[%dma_wait3A_215, %dma_wait3A_216, %dma_wait3A_217] : memref<3x32x1024xf32, #tpu.memory_space<vmem>> -> memref<1x32x1024xf32, #tpu.memory_space<vmem>>
    %dma_wait3A_219 = tpu.memref_squeeze %dma_wait3A_218 : memref<1x32x1024xf32, #tpu.memory_space<vmem>> -> memref<32x1024xf32, #tpu.memory_space<vmem>>
    %dma_wait3A_220 = arith.constant 0 : i32
    %dma_wait3A_221 = tpu.memref_slice %arg2[%add3A_149, %dma_wait3A_220] : memref<8192x1024xf32, #tpu.memory_space<hbm>> -> memref<32x1024xf32, #tpu.memory_space<hbm>>
    %dma_wait3A_222 = arith.constant 0 : i32
    %dma_wait3A_223 = arith.constant 0 : i32
    %dma_wait3A_224 = tpu.memref_slice %arg13[%dma_wait3A_215, %dma_wait3A_222, %dma_wait3A_223] : memref<3x32x1024xf32, #tpu.memory_space<vmem>> -> memref<1x32x1024xf32, #tpu.memory_space<vmem>>
    %dma_wait3A_225 = tpu.memref_squeeze %dma_wait3A_224 : memref<1x32x1024xf32, #tpu.memory_space<vmem>> -> memref<32x1024xf32, #tpu.memory_space<vmem>>
    %dma_wait3A_226 = arith.constant 0 : i32
    %dma_wait3A_227 = tpu.memref_slice %arg2[%add3A_149, %dma_wait3A_226] : memref<8192x1024xf32, #tpu.memory_space<hbm>> -> memref<32x1024xf32, #tpu.memory_space<hbm>>
    tpu.wait_dma2 semaphore(%arg20 : memref<!tpu.dma_semaphore, #tpu.memory_space<semaphore_mem>>) src(%dma_wait3A_227 : memref<32x1024xf32, #tpu.memory_space<hbm>>) dst(%dma_wait3A_225 : memref<32x1024xf32, #tpu.memory_space<vmem>>)
    %dma_start3A_228 = arith.constant 0 : i32
    %dma_start3A_229 = arith.constant 3 : i32
    %dma_start3A_230 = arith.constant 0 : i32
    %dma_start3A_231 = arith.constant 0 : i32
    %dma_start3A_232 = tpu.memref_slice %arg13[%dma_start3A_228, %dma_start3A_230, %dma_start3A_231] : memref<3x32x1024xf32, #tpu.memory_space<vmem>> -> memref<1x32x1024xf32, #tpu.memory_space<vmem>>
    %dma_start3A_233 = tpu.memref_squeeze %dma_start3A_232 : memref<1x32x1024xf32, #tpu.memory_space<vmem>> -> memref<32x1024xf32, #tpu.memory_space<vmem>>
    %dma_start3A_234 = arith.constant 0 : i32
    %dma_start3A_235 = tpu.memref_slice %arg12[%dma_start3A_229, %dma_start3A_234] : memref<8x32xi32, #tpu.memory_space<vmem>> -> memref<1x32xi32, #tpu.memory_space<vmem>>
    %dma_start3A_236 = tpu.memref_squeeze %dma_start3A_235 : memref<1x32xi32, #tpu.memory_space<vmem>> -> memref<32xi32, #tpu.memory_space<vmem>>
    %dma_start3A_237 = arith.constant 0 : i32
    %dma_start3A_238 = arith.constant 0 : i32
    %dma_start3A_239 = tpu.memref_slice %arg10[%dma_start3A_237, %dma_start3A_238] : memref<8704x1024xf32, #tpu.memory_space<hbm>> -> memref<8704x1024xf32, #tpu.memory_space<hbm>>
    tpu.enqueue_indirect_dma source(%dma_start3A_233 : memref<32x1024xf32, #tpu.memory_space<vmem>>) target(%dma_start3A_239 : memref<8704x1024xf32, #tpu.memory_space<hbm>>) offsets(%dma_start3A_236 : memref<32xi32, #tpu.memory_space<vmem>>) semaphore(%arg24 : memref<!tpu.dma_semaphore, #tpu.memory_space<semaphore_mem>>)
    %dma_wait3A_240 = arith.constant 2 : i32
    %dma_wait3A_241 = arith.constant 2 : i32
    %dma_wait3A_242 = arith.constant 0 : i32
    %dma_wait3A_243 = arith.constant 0 : i32
    %dma_wait3A_244 = tpu.memref_slice %arg13[%dma_wait3A_240, %dma_wait3A_242, %dma_wait3A_243] : memref<3x32x1024xf32, #tpu.memory_space<vmem>> -> memref<1x32x1024xf32, #tpu.memory_space<vmem>>
    %dma_wait3A_245 = tpu.memref_squeeze %dma_wait3A_244 : memref<1x32x1024xf32, #tpu.memory_space<vmem>> -> memref<32x1024xf32, #tpu.memory_space<vmem>>
    %dma_wait3A_246 = arith.constant 0 : i32
    %dma_wait3A_247 = tpu.memref_slice %arg12[%dma_wait3A_241, %dma_wait3A_246] : memref<8x32xi32, #tpu.memory_space<vmem>> -> memref<1x32xi32, #tpu.memory_space<vmem>>
    %dma_wait3A_248 = tpu.memref_squeeze %dma_wait3A_247 : memref<1x32xi32, #tpu.memory_space<vmem>> -> memref<32xi32, #tpu.memory_space<vmem>>
    %dma_wait3A_249 = arith.constant 0 : i32
    %dma_wait3A_250 = arith.constant 0 : i32
    %dma_wait3A_251 = tpu.memref_slice %arg10[%dma_wait3A_249, %dma_wait3A_250] : memref<8704x1024xf32, #tpu.memory_space<hbm>> -> memref<8704x1024xf32, #tpu.memory_space<hbm>>
    tpu.wait_indirect_dma semaphore(%arg26 : memref<!tpu.dma_semaphore, #tpu.memory_space<semaphore_mem>>) src(%dma_wait3A_245 : memref<32x1024xf32, #tpu.memory_space<vmem>>) dst(%dma_wait3A_251 : memref<8704x1024xf32, #tpu.memory_space<hbm>>)
    %add3A_252 = arith.constant 160 : i32
    %add3A_253 = arith.addi %mul3A_2, %add3A_252 : i32
    %dma_start3A_254 = arith.constant 2 : i32
    %dma_start3A_255 = arith.constant 0 : i32
    %dma_start3A_256 = arith.constant 0 : i32
    %dma_start3A_257 = tpu.memref_slice %arg13[%dma_start3A_254, %dma_start3A_255, %dma_start3A_256] : memref<3x32x1024xf32, #tpu.memory_space<vmem>> -> memref<1x32x1024xf32, #tpu.memory_space<vmem>>
    %dma_start3A_258 = tpu.memref_squeeze %dma_start3A_257 : memref<1x32x1024xf32, #tpu.memory_space<vmem>> -> memref<32x1024xf32, #tpu.memory_space<vmem>>
    %dma_start3A_259 = arith.constant 0 : i32
    %dma_start3A_260 = tpu.memref_slice %arg2[%add3A_253, %dma_start3A_259] : memref<8192x1024xf32, #tpu.memory_space<hbm>> -> memref<32x1024xf32, #tpu.memory_space<hbm>>
    %dma_start3A_261 = arith.constant 0 : i32
    %dma_start3A_262 = arith.constant 0 : i32
    %dma_start3A_263 = tpu.memref_slice %arg13[%dma_start3A_254, %dma_start3A_261, %dma_start3A_262] : memref<3x32x1024xf32, #tpu.memory_space<vmem>> -> memref<1x32x1024xf32, #tpu.memory_space<vmem>>
    %dma_start3A_264 = tpu.memref_squeeze %dma_start3A_263 : memref<1x32x1024xf32, #tpu.memory_space<vmem>> -> memref<32x1024xf32, #tpu.memory_space<vmem>>
    %dma_start3A_265 = arith.constant 0 : i32
    %dma_start3A_266 = tpu.memref_slice %arg2[%add3A_253, %dma_start3A_265] : memref<8192x1024xf32, #tpu.memory_space<hbm>> -> memref<32x1024xf32, #tpu.memory_space<hbm>>
    tpu.enqueue_dma source(%dma_start3A_266 : memref<32x1024xf32, #tpu.memory_space<hbm>>) target(%dma_start3A_264 : memref<32x1024xf32, #tpu.memory_space<vmem>>) target_semaphore(%arg22 : memref<!tpu.dma_semaphore, #tpu.memory_space<semaphore_mem>>)
    %dma_wait3A_267 = arith.constant 1 : i32
    %dma_wait3A_268 = arith.constant 0 : i32
    %dma_wait3A_269 = arith.constant 0 : i32
    %dma_wait3A_270 = tpu.memref_slice %arg13[%dma_wait3A_267, %dma_wait3A_268, %dma_wait3A_269] : memref<3x32x1024xf32, #tpu.memory_space<vmem>> -> memref<1x32x1024xf32, #tpu.memory_space<vmem>>
    %dma_wait3A_271 = tpu.memref_squeeze %dma_wait3A_270 : memref<1x32x1024xf32, #tpu.memory_space<vmem>> -> memref<32x1024xf32, #tpu.memory_space<vmem>>
    %dma_wait3A_272 = arith.constant 0 : i32
    %dma_wait3A_273 = tpu.memref_slice %arg2[%add3A_201, %dma_wait3A_272] : memref<8192x1024xf32, #tpu.memory_space<hbm>> -> memref<32x1024xf32, #tpu.memory_space<hbm>>
    %dma_wait3A_274 = arith.constant 0 : i32
    %dma_wait3A_275 = arith.constant 0 : i32
    %dma_wait3A_276 = tpu.memref_slice %arg13[%dma_wait3A_267, %dma_wait3A_274, %dma_wait3A_275] : memref<3x32x1024xf32, #tpu.memory_space<vmem>> -> memref<1x32x1024xf32, #tpu.memory_space<vmem>>
    %dma_wait3A_277 = tpu.memref_squeeze %dma_wait3A_276 : memref<1x32x1024xf32, #tpu.memory_space<vmem>> -> memref<32x1024xf32, #tpu.memory_space<vmem>>
    %dma_wait3A_278 = arith.constant 0 : i32
    %dma_wait3A_279 = tpu.memref_slice %arg2[%add3A_201, %dma_wait3A_278] : memref<8192x1024xf32, #tpu.memory_space<hbm>> -> memref<32x1024xf32, #tpu.memory_space<hbm>>
    tpu.wait_dma2 semaphore(%arg21 : memref<!tpu.dma_semaphore, #tpu.memory_space<semaphore_mem>>) src(%dma_wait3A_279 : memref<32x1024xf32, #tpu.memory_space<hbm>>) dst(%dma_wait3A_277 : memref<32x1024xf32, #tpu.memory_space<vmem>>)
    %dma_start3A_280 = arith.constant 1 : i32
    %dma_start3A_281 = arith.constant 4 : i32
    %dma_start3A_282 = arith.constant 0 : i32
    %dma_start3A_283 = arith.constant 0 : i32
    %dma_start3A_284 = tpu.memref_slice %arg13[%dma_start3A_280, %dma_start3A_282, %dma_start3A_283] : memref<3x32x1024xf32, #tpu.memory_space<vmem>> -> memref<1x32x1024xf32, #tpu.memory_space<vmem>>
    %dma_start3A_285 = tpu.memref_squeeze %dma_start3A_284 : memref<1x32x1024xf32, #tpu.memory_space<vmem>> -> memref<32x1024xf32, #tpu.memory_space<vmem>>
    %dma_start3A_286 = arith.constant 0 : i32
    %dma_start3A_287 = tpu.memref_slice %arg12[%dma_start3A_281, %dma_start3A_286] : memref<8x32xi32, #tpu.memory_space<vmem>> -> memref<1x32xi32, #tpu.memory_space<vmem>>
    %dma_start3A_288 = tpu.memref_squeeze %dma_start3A_287 : memref<1x32xi32, #tpu.memory_space<vmem>> -> memref<32xi32, #tpu.memory_space<vmem>>
    %dma_start3A_289 = arith.constant 0 : i32
    %dma_start3A_290 = arith.constant 0 : i32
    %dma_start3A_291 = tpu.memref_slice %arg10[%dma_start3A_289, %dma_start3A_290] : memref<8704x1024xf32, #tpu.memory_space<hbm>> -> memref<8704x1024xf32, #tpu.memory_space<hbm>>
    tpu.enqueue_indirect_dma source(%dma_start3A_285 : memref<32x1024xf32, #tpu.memory_space<vmem>>) target(%dma_start3A_291 : memref<8704x1024xf32, #tpu.memory_space<hbm>>) offsets(%dma_start3A_288 : memref<32xi32, #tpu.memory_space<vmem>>) semaphore(%arg25 : memref<!tpu.dma_semaphore, #tpu.memory_space<semaphore_mem>>)
    %dma_wait3A_292 = arith.constant 0 : i32
    %dma_wait3A_293 = arith.constant 3 : i32
    %dma_wait3A_294 = arith.constant 0 : i32
    %dma_wait3A_295 = arith.constant 0 : i32
    %dma_wait3A_296 = tpu.memref_slice %arg13[%dma_wait3A_292, %dma_wait3A_294, %dma_wait3A_295] : memref<3x32x1024xf32, #tpu.memory_space<vmem>> -> memref<1x32x1024xf32, #tpu.memory_space<vmem>>
    %dma_wait3A_297 = tpu.memref_squeeze %dma_wait3A_296 : memref<1x32x1024xf32, #tpu.memory_space<vmem>> -> memref<32x1024xf32, #tpu.memory_space<vmem>>
    %dma_wait3A_298 = arith.constant 0 : i32
    %dma_wait3A_299 = tpu.memref_slice %arg12[%dma_wait3A_293, %dma_wait3A_298] : memref<8x32xi32, #tpu.memory_space<vmem>> -> memref<1x32xi32, #tpu.memory_space<vmem>>
    %dma_wait3A_300 = tpu.memref_squeeze %dma_wait3A_299 : memref<1x32xi32, #tpu.memory_space<vmem>> -> memref<32xi32, #tpu.memory_space<vmem>>
    %dma_wait3A_301 = arith.constant 0 : i32
    %dma_wait3A_302 = arith.constant 0 : i32
    %dma_wait3A_303 = tpu.memref_slice %arg10[%dma_wait3A_301, %dma_wait3A_302] : memref<8704x1024xf32, #tpu.memory_space<hbm>> -> memref<8704x1024xf32, #tpu.memory_space<hbm>>
    tpu.wait_indirect_dma semaphore(%arg24 : memref<!tpu.dma_semaphore, #tpu.memory_space<semaphore_mem>>) src(%dma_wait3A_297 : memref<32x1024xf32, #tpu.memory_space<vmem>>) dst(%dma_wait3A_303 : memref<8704x1024xf32, #tpu.memory_space<hbm>>)
    %add3A_304 = arith.constant 192 : i32
    %add3A_305 = arith.addi %mul3A_2, %add3A_304 : i32
    %dma_start3A_306 = arith.constant 0 : i32
    %dma_start3A_307 = arith.constant 0 : i32
    %dma_start3A_308 = arith.constant 0 : i32
    %dma_start3A_309 = tpu.memref_slice %arg13[%dma_start3A_306, %dma_start3A_307, %dma_start3A_308] : memref<3x32x1024xf32, #tpu.memory_space<vmem>> -> memref<1x32x1024xf32, #tpu.memory_space<vmem>>
    %dma_start3A_310 = tpu.memref_squeeze %dma_start3A_309 : memref<1x32x1024xf32, #tpu.memory_space<vmem>> -> memref<32x1024xf32, #tpu.memory_space<vmem>>
    %dma_start3A_311 = arith.constant 0 : i32
    %dma_start3A_312 = tpu.memref_slice %arg2[%add3A_305, %dma_start3A_311] : memref<8192x1024xf32, #tpu.memory_space<hbm>> -> memref<32x1024xf32, #tpu.memory_space<hbm>>
    %dma_start3A_313 = arith.constant 0 : i32
    %dma_start3A_314 = arith.constant 0 : i32
    %dma_start3A_315 = tpu.memref_slice %arg13[%dma_start3A_306, %dma_start3A_313, %dma_start3A_314] : memref<3x32x1024xf32, #tpu.memory_space<vmem>> -> memref<1x32x1024xf32, #tpu.memory_space<vmem>>
    %dma_start3A_316 = tpu.memref_squeeze %dma_start3A_315 : memref<1x32x1024xf32, #tpu.memory_space<vmem>> -> memref<32x1024xf32, #tpu.memory_space<vmem>>
    %dma_start3A_317 = arith.constant 0 : i32
    %dma_start3A_318 = tpu.memref_slice %arg2[%add3A_305, %dma_start3A_317] : memref<8192x1024xf32, #tpu.memory_space<hbm>> -> memref<32x1024xf32, #tpu.memory_space<hbm>>
    tpu.enqueue_dma source(%dma_start3A_318 : memref<32x1024xf32, #tpu.memory_space<hbm>>) target(%dma_start3A_316 : memref<32x1024xf32, #tpu.memory_space<vmem>>) target_semaphore(%arg20 : memref<!tpu.dma_semaphore, #tpu.memory_space<semaphore_mem>>)
    %dma_wait3A_319 = arith.constant 2 : i32
    %dma_wait3A_320 = arith.constant 0 : i32
    %dma_wait3A_321 = arith.constant 0 : i32
    %dma_wait3A_322 = tpu.memref_slice %arg13[%dma_wait3A_319, %dma_wait3A_320, %dma_wait3A_321] : memref<3x32x1024xf32, #tpu.memory_space<vmem>> -> memref<1x32x1024xf32, #tpu.memory_space<vmem>>
    %dma_wait3A_323 = tpu.memref_squeeze %dma_wait3A_322 : memref<1x32x1024xf32, #tpu.memory_space<vmem>> -> memref<32x1024xf32, #tpu.memory_space<vmem>>
    %dma_wait3A_324 = arith.constant 0 : i32
    %dma_wait3A_325 = tpu.memref_slice %arg2[%add3A_253, %dma_wait3A_324] : memref<8192x1024xf32, #tpu.memory_space<hbm>> -> memref<32x1024xf32, #tpu.memory_space<hbm>>
    %dma_wait3A_326 = arith.constant 0 : i32
    %dma_wait3A_327 = arith.constant 0 : i32
    %dma_wait3A_328 = tpu.memref_slice %arg13[%dma_wait3A_319, %dma_wait3A_326, %dma_wait3A_327] : memref<3x32x1024xf32, #tpu.memory_space<vmem>> -> memref<1x32x1024xf32, #tpu.memory_space<vmem>>
    %dma_wait3A_329 = tpu.memref_squeeze %dma_wait3A_328 : memref<1x32x1024xf32, #tpu.memory_space<vmem>> -> memref<32x1024xf32, #tpu.memory_space<vmem>>
    %dma_wait3A_330 = arith.constant 0 : i32
    %dma_wait3A_331 = tpu.memref_slice %arg2[%add3A_253, %dma_wait3A_330] : memref<8192x1024xf32, #tpu.memory_space<hbm>> -> memref<32x1024xf32, #tpu.memory_space<hbm>>
    tpu.wait_dma2 semaphore(%arg22 : memref<!tpu.dma_semaphore, #tpu.memory_space<semaphore_mem>>) src(%dma_wait3A_331 : memref<32x1024xf32, #tpu.memory_space<hbm>>) dst(%dma_wait3A_329 : memref<32x1024xf32, #tpu.memory_space<vmem>>)
    %dma_start3A_332 = arith.constant 2 : i32
    %dma_start3A_333 = arith.constant 5 : i32
    %dma_start3A_334 = arith.constant 0 : i32
    %dma_start3A_335 = arith.constant 0 : i32
    %dma_start3A_336 = tpu.memref_slice %arg13[%dma_start3A_332, %dma_start3A_334, %dma_start3A_335] : memref<3x32x1024xf32, #tpu.memory_space<vmem>> -> memref<1x32x1024xf32, #tpu.memory_space<vmem>>
    %dma_start3A_337 = tpu.memref_squeeze %dma_start3A_336 : memref<1x32x1024xf32, #tpu.memory_space<vmem>> -> memref<32x1024xf32, #tpu.memory_space<vmem>>
    %dma_start3A_338 = arith.constant 0 : i32
    %dma_start3A_339 = tpu.memref_slice %arg12[%dma_start3A_333, %dma_start3A_338] : memref<8x32xi32, #tpu.memory_space<vmem>> -> memref<1x32xi32, #tpu.memory_space<vmem>>
    %dma_start3A_340 = tpu.memref_squeeze %dma_start3A_339 : memref<1x32xi32, #tpu.memory_space<vmem>> -> memref<32xi32, #tpu.memory_space<vmem>>
    %dma_start3A_341 = arith.constant 0 : i32
    %dma_start3A_342 = arith.constant 0 : i32
    %dma_start3A_343 = tpu.memref_slice %arg10[%dma_start3A_341, %dma_start3A_342] : memref<8704x1024xf32, #tpu.memory_space<hbm>> -> memref<8704x1024xf32, #tpu.memory_space<hbm>>
    tpu.enqueue_indirect_dma source(%dma_start3A_337 : memref<32x1024xf32, #tpu.memory_space<vmem>>) target(%dma_start3A_343 : memref<8704x1024xf32, #tpu.memory_space<hbm>>) offsets(%dma_start3A_340 : memref<32xi32, #tpu.memory_space<vmem>>) semaphore(%arg26 : memref<!tpu.dma_semaphore, #tpu.memory_space<semaphore_mem>>)
    %dma_wait3A_344 = arith.constant 1 : i32
    %dma_wait3A_345 = arith.constant 4 : i32
    %dma_wait3A_346 = arith.constant 0 : i32
    %dma_wait3A_347 = arith.constant 0 : i32
    %dma_wait3A_348 = tpu.memref_slice %arg13[%dma_wait3A_344, %dma_wait3A_346, %dma_wait3A_347] : memref<3x32x1024xf32, #tpu.memory_space<vmem>> -> memref<1x32x1024xf32, #tpu.memory_space<vmem>>
    %dma_wait3A_349 = tpu.memref_squeeze %dma_wait3A_348 : memref<1x32x1024xf32, #tpu.memory_space<vmem>> -> memref<32x1024xf32, #tpu.memory_space<vmem>>
    %dma_wait3A_350 = arith.constant 0 : i32
    %dma_wait3A_351 = tpu.memref_slice %arg12[%dma_wait3A_345, %dma_wait3A_350] : memref<8x32xi32, #tpu.memory_space<vmem>> -> memref<1x32xi32, #tpu.memory_space<vmem>>
    %dma_wait3A_352 = tpu.memref_squeeze %dma_wait3A_351 : memref<1x32xi32, #tpu.memory_space<vmem>> -> memref<32xi32, #tpu.memory_space<vmem>>
    %dma_wait3A_353 = arith.constant 0 : i32
    %dma_wait3A_354 = arith.constant 0 : i32
    %dma_wait3A_355 = tpu.memref_slice %arg10[%dma_wait3A_353, %dma_wait3A_354] : memref<8704x1024xf32, #tpu.memory_space<hbm>> -> memref<8704x1024xf32, #tpu.memory_space<hbm>>
    tpu.wait_indirect_dma semaphore(%arg25 : memref<!tpu.dma_semaphore, #tpu.memory_space<semaphore_mem>>) src(%dma_wait3A_349 : memref<32x1024xf32, #tpu.memory_space<vmem>>) dst(%dma_wait3A_355 : memref<8704x1024xf32, #tpu.memory_space<hbm>>)
    %add3A_356 = arith.constant 224 : i32
    %add3A_357 = arith.addi %mul3A_2, %add3A_356 : i32
    %dma_start3A_358 = arith.constant 1 : i32
    %dma_start3A_359 = arith.constant 0 : i32
    %dma_start3A_360 = arith.constant 0 : i32
    %dma_start3A_361 = tpu.memref_slice %arg13[%dma_start3A_358, %dma_start3A_359, %dma_start3A_360] : memref<3x32x1024xf32, #tpu.memory_space<vmem>> -> memref<1x32x1024xf32, #tpu.memory_space<vmem>>
    %dma_start3A_362 = tpu.memref_squeeze %dma_start3A_361 : memref<1x32x1024xf32, #tpu.memory_space<vmem>> -> memref<32x1024xf32, #tpu.memory_space<vmem>>
    %dma_start3A_363 = arith.constant 0 : i32
    %dma_start3A_364 = tpu.memref_slice %arg2[%add3A_357, %dma_start3A_363] : memref<8192x1024xf32, #tpu.memory_space<hbm>> -> memref<32x1024xf32, #tpu.memory_space<hbm>>
    %dma_start3A_365 = arith.constant 0 : i32
    %dma_start3A_366 = arith.constant 0 : i32
    %dma_start3A_367 = tpu.memref_slice %arg13[%dma_start3A_358, %dma_start3A_365, %dma_start3A_366] : memref<3x32x1024xf32, #tpu.memory_space<vmem>> -> memref<1x32x1024xf32, #tpu.memory_space<vmem>>
    %dma_start3A_368 = tpu.memref_squeeze %dma_start3A_367 : memref<1x32x1024xf32, #tpu.memory_space<vmem>> -> memref<32x1024xf32, #tpu.memory_space<vmem>>
    %dma_start3A_369 = arith.constant 0 : i32
    %dma_start3A_370 = tpu.memref_slice %arg2[%add3A_357, %dma_start3A_369] : memref<8192x1024xf32, #tpu.memory_space<hbm>> -> memref<32x1024xf32, #tpu.memory_space<hbm>>
    tpu.enqueue_dma source(%dma_start3A_370 : memref<32x1024xf32, #tpu.memory_space<hbm>>) target(%dma_start3A_368 : memref<32x1024xf32, #tpu.memory_space<vmem>>) target_semaphore(%arg21 : memref<!tpu.dma_semaphore, #tpu.memory_space<semaphore_mem>>)
    %dma_wait3A_371 = arith.constant 0 : i32
    %dma_wait3A_372 = arith.constant 0 : i32
    %dma_wait3A_373 = arith.constant 0 : i32
    %dma_wait3A_374 = tpu.memref_slice %arg13[%dma_wait3A_371, %dma_wait3A_372, %dma_wait3A_373] : memref<3x32x1024xf32, #tpu.memory_space<vmem>> -> memref<1x32x1024xf32, #tpu.memory_space<vmem>>
    %dma_wait3A_375 = tpu.memref_squeeze %dma_wait3A_374 : memref<1x32x1024xf32, #tpu.memory_space<vmem>> -> memref<32x1024xf32, #tpu.memory_space<vmem>>
    %dma_wait3A_376 = arith.constant 0 : i32
    %dma_wait3A_377 = tpu.memref_slice %arg2[%add3A_305, %dma_wait3A_376] : memref<8192x1024xf32, #tpu.memory_space<hbm>> -> memref<32x1024xf32, #tpu.memory_space<hbm>>
    %dma_wait3A_378 = arith.constant 0 : i32
    %dma_wait3A_379 = arith.constant 0 : i32
    %dma_wait3A_380 = tpu.memref_slice %arg13[%dma_wait3A_371, %dma_wait3A_378, %dma_wait3A_379] : memref<3x32x1024xf32, #tpu.memory_space<vmem>> -> memref<1x32x1024xf32, #tpu.memory_space<vmem>>
    %dma_wait3A_381 = tpu.memref_squeeze %dma_wait3A_380 : memref<1x32x1024xf32, #tpu.memory_space<vmem>> -> memref<32x1024xf32, #tpu.memory_space<vmem>>
    %dma_wait3A_382 = arith.constant 0 : i32
    %dma_wait3A_383 = tpu.memref_slice %arg2[%add3A_305, %dma_wait3A_382] : memref<8192x1024xf32, #tpu.memory_space<hbm>> -> memref<32x1024xf32, #tpu.memory_space<hbm>>
    tpu.wait_dma2 semaphore(%arg20 : memref<!tpu.dma_semaphore, #tpu.memory_space<semaphore_mem>>) src(%dma_wait3A_383 : memref<32x1024xf32, #tpu.memory_space<hbm>>) dst(%dma_wait3A_381 : memref<32x1024xf32, #tpu.memory_space<vmem>>)
    %dma_start3A_384 = arith.constant 0 : i32
    %dma_start3A_385 = arith.constant 6 : i32
    %dma_start3A_386 = arith.constant 0 : i32
    %dma_start3A_387 = arith.constant 0 : i32
    %dma_start3A_388 = tpu.memref_slice %arg13[%dma_start3A_384, %dma_start3A_386, %dma_start3A_387] : memref<3x32x1024xf32, #tpu.memory_space<vmem>> -> memref<1x32x1024xf32, #tpu.memory_space<vmem>>
    %dma_start3A_389 = tpu.memref_squeeze %dma_start3A_388 : memref<1x32x1024xf32, #tpu.memory_space<vmem>> -> memref<32x1024xf32, #tpu.memory_space<vmem>>
    %dma_start3A_390 = arith.constant 0 : i32
    %dma_start3A_391 = tpu.memref_slice %arg12[%dma_start3A_385, %dma_start3A_390] : memref<8x32xi32, #tpu.memory_space<vmem>> -> memref<1x32xi32, #tpu.memory_space<vmem>>
    %dma_start3A_392 = tpu.memref_squeeze %dma_start3A_391 : memref<1x32xi32, #tpu.memory_space<vmem>> -> memref<32xi32, #tpu.memory_space<vmem>>
    %dma_start3A_393 = arith.constant 0 : i32
    %dma_start3A_394 = arith.constant 0 : i32
    %dma_start3A_395 = tpu.memref_slice %arg10[%dma_start3A_393, %dma_start3A_394] : memref<8704x1024xf32, #tpu.memory_space<hbm>> -> memref<8704x1024xf32, #tpu.memory_space<hbm>>
    tpu.enqueue_indirect_dma source(%dma_start3A_389 : memref<32x1024xf32, #tpu.memory_space<vmem>>) target(%dma_start3A_395 : memref<8704x1024xf32, #tpu.memory_space<hbm>>) offsets(%dma_start3A_392 : memref<32xi32, #tpu.memory_space<vmem>>) semaphore(%arg24 : memref<!tpu.dma_semaphore, #tpu.memory_space<semaphore_mem>>)
    %dma_wait3A_396 = arith.constant 1 : i32
    %dma_wait3A_397 = arith.constant 0 : i32
    %dma_wait3A_398 = arith.constant 0 : i32
    %dma_wait3A_399 = tpu.memref_slice %arg13[%dma_wait3A_396, %dma_wait3A_397, %dma_wait3A_398] : memref<3x32x1024xf32, #tpu.memory_space<vmem>> -> memref<1x32x1024xf32, #tpu.memory_space<vmem>>
    %dma_wait3A_400 = tpu.memref_squeeze %dma_wait3A_399 : memref<1x32x1024xf32, #tpu.memory_space<vmem>> -> memref<32x1024xf32, #tpu.memory_space<vmem>>
    %dma_wait3A_401 = arith.constant 0 : i32
    %dma_wait3A_402 = tpu.memref_slice %arg2[%add3A_357, %dma_wait3A_401] : memref<8192x1024xf32, #tpu.memory_space<hbm>> -> memref<32x1024xf32, #tpu.memory_space<hbm>>
    %dma_wait3A_403 = arith.constant 0 : i32
    %dma_wait3A_404 = arith.constant 0 : i32
    %dma_wait3A_405 = tpu.memref_slice %arg13[%dma_wait3A_396, %dma_wait3A_403, %dma_wait3A_404] : memref<3x32x1024xf32, #tpu.memory_space<vmem>> -> memref<1x32x1024xf32, #tpu.memory_space<vmem>>
    %dma_wait3A_406 = tpu.memref_squeeze %dma_wait3A_405 : memref<1x32x1024xf32, #tpu.memory_space<vmem>> -> memref<32x1024xf32, #tpu.memory_space<vmem>>
    %dma_wait3A_407 = arith.constant 0 : i32
    %dma_wait3A_408 = tpu.memref_slice %arg2[%add3A_357, %dma_wait3A_407] : memref<8192x1024xf32, #tpu.memory_space<hbm>> -> memref<32x1024xf32, #tpu.memory_space<hbm>>
    tpu.wait_dma2 semaphore(%arg21 : memref<!tpu.dma_semaphore, #tpu.memory_space<semaphore_mem>>) src(%dma_wait3A_408 : memref<32x1024xf32, #tpu.memory_space<hbm>>) dst(%dma_wait3A_406 : memref<32x1024xf32, #tpu.memory_space<vmem>>)
    %dma_start3A_409 = arith.constant 1 : i32
    %dma_start3A_410 = arith.constant 7 : i32
    %dma_start3A_411 = arith.constant 0 : i32
    %dma_start3A_412 = arith.constant 0 : i32
    %dma_start3A_413 = tpu.memref_slice %arg13[%dma_start3A_409, %dma_start3A_411, %dma_start3A_412] : memref<3x32x1024xf32, #tpu.memory_space<vmem>> -> memref<1x32x1024xf32, #tpu.memory_space<vmem>>
    %dma_start3A_414 = tpu.memref_squeeze %dma_start3A_413 : memref<1x32x1024xf32, #tpu.memory_space<vmem>> -> memref<32x1024xf32, #tpu.memory_space<vmem>>
    %dma_start3A_415 = arith.constant 0 : i32
    %dma_start3A_416 = tpu.memref_slice %arg12[%dma_start3A_410, %dma_start3A_415] : memref<8x32xi32, #tpu.memory_space<vmem>> -> memref<1x32xi32, #tpu.memory_space<vmem>>
    %dma_start3A_417 = tpu.memref_squeeze %dma_start3A_416 : memref<1x32xi32, #tpu.memory_space<vmem>> -> memref<32xi32, #tpu.memory_space<vmem>>
    %dma_start3A_418 = arith.constant 0 : i32
    %dma_start3A_419 = arith.constant 0 : i32
    %dma_start3A_420 = tpu.memref_slice %arg10[%dma_start3A_418, %dma_start3A_419] : memref<8704x1024xf32, #tpu.memory_space<hbm>> -> memref<8704x1024xf32, #tpu.memory_space<hbm>>
    tpu.enqueue_indirect_dma source(%dma_start3A_414 : memref<32x1024xf32, #tpu.memory_space<vmem>>) target(%dma_start3A_420 : memref<8704x1024xf32, #tpu.memory_space<hbm>>) offsets(%dma_start3A_417 : memref<32xi32, #tpu.memory_space<vmem>>) semaphore(%arg25 : memref<!tpu.dma_semaphore, #tpu.memory_space<semaphore_mem>>)
    %dma_wait3A_421 = arith.constant 2 : i32
    %dma_wait3A_422 = arith.constant 5 : i32
    %dma_wait3A_423 = arith.constant 0 : i32
    %dma_wait3A_424 = arith.constant 0 : i32
    %dma_wait3A_425 = tpu.memref_slice %arg13[%dma_wait3A_421, %dma_wait3A_423, %dma_wait3A_424] : memref<3x32x1024xf32, #tpu.memory_space<vmem>> -> memref<1x32x1024xf32, #tpu.memory_space<vmem>>
    %dma_wait3A_426 = tpu.memref_squeeze %dma_wait3A_425 : memref<1x32x1024xf32, #tpu.memory_space<vmem>> -> memref<32x1024xf32, #tpu.memory_space<vmem>>
    %dma_wait3A_427 = arith.constant 0 : i32
    %dma_wait3A_428 = tpu.memref_slice %arg12[%dma_wait3A_422, %dma_wait3A_427] : memref<8x32xi32, #tpu.memory_space<vmem>> -> memref<1x32xi32, #tpu.memory_space<vmem>>
    %dma_wait3A_429 = tpu.memref_squeeze %dma_wait3A_428 : memref<1x32xi32, #tpu.memory_space<vmem>> -> memref<32xi32, #tpu.memory_space<vmem>>
    %dma_wait3A_430 = arith.constant 0 : i32
    %dma_wait3A_431 = arith.constant 0 : i32
    %dma_wait3A_432 = tpu.memref_slice %arg10[%dma_wait3A_430, %dma_wait3A_431] : memref<8704x1024xf32, #tpu.memory_space<hbm>> -> memref<8704x1024xf32, #tpu.memory_space<hbm>>
    tpu.wait_indirect_dma semaphore(%arg26 : memref<!tpu.dma_semaphore, #tpu.memory_space<semaphore_mem>>) src(%dma_wait3A_426 : memref<32x1024xf32, #tpu.memory_space<vmem>>) dst(%dma_wait3A_432 : memref<8704x1024xf32, #tpu.memory_space<hbm>>)
    %dma_wait3A_433 = arith.constant 0 : i32
    %dma_wait3A_434 = arith.constant 6 : i32
    %dma_wait3A_435 = arith.constant 0 : i32
    %dma_wait3A_436 = arith.constant 0 : i32
    %dma_wait3A_437 = tpu.memref_slice %arg13[%dma_wait3A_433, %dma_wait3A_435, %dma_wait3A_436] : memref<3x32x1024xf32, #tpu.memory_space<vmem>> -> memref<1x32x1024xf32, #tpu.memory_space<vmem>>
    %dma_wait3A_438 = tpu.memref_squeeze %dma_wait3A_437 : memref<1x32x1024xf32, #tpu.memory_space<vmem>> -> memref<32x1024xf32, #tpu.memory_space<vmem>>
    %dma_wait3A_439 = arith.constant 0 : i32
    %dma_wait3A_440 = tpu.memref_slice %arg12[%dma_wait3A_434, %dma_wait3A_439] : memref<8x32xi32, #tpu.memory_space<vmem>> -> memref<1x32xi32, #tpu.memory_space<vmem>>
    %dma_wait3A_441 = tpu.memref_squeeze %dma_wait3A_440 : memref<1x32xi32, #tpu.memory_space<vmem>> -> memref<32xi32, #tpu.memory_space<vmem>>
    %dma_wait3A_442 = arith.constant 0 : i32
    %dma_wait3A_443 = arith.constant 0 : i32
    %dma_wait3A_444 = tpu.memref_slice %arg10[%dma_wait3A_442, %dma_wait3A_443] : memref<8704x1024xf32, #tpu.memory_space<hbm>> -> memref<8704x1024xf32, #tpu.memory_space<hbm>>
    tpu.wait_indirect_dma semaphore(%arg24 : memref<!tpu.dma_semaphore, #tpu.memory_space<semaphore_mem>>) src(%dma_wait3A_438 : memref<32x1024xf32, #tpu.memory_space<vmem>>) dst(%dma_wait3A_444 : memref<8704x1024xf32, #tpu.memory_space<hbm>>)
    %dma_wait3A_445 = arith.constant 1 : i32
    %dma_wait3A_446 = arith.constant 7 : i32
    %dma_wait3A_447 = arith.constant 0 : i32
    %dma_wait3A_448 = arith.constant 0 : i32
    %dma_wait3A_449 = tpu.memref_slice %arg13[%dma_wait3A_445, %dma_wait3A_447, %dma_wait3A_448] : memref<3x32x1024xf32, #tpu.memory_space<vmem>> -> memref<1x32x1024xf32, #tpu.memory_space<vmem>>
    %dma_wait3A_450 = tpu.memref_squeeze %dma_wait3A_449 : memref<1x32x1024xf32, #tpu.memory_space<vmem>> -> memref<32x1024xf32, #tpu.memory_space<vmem>>
    %dma_wait3A_451 = arith.constant 0 : i32
    %dma_wait3A_452 = tpu.memref_slice %arg12[%dma_wait3A_446, %dma_wait3A_451] : memref<8x32xi32, #tpu.memory_space<vmem>> -> memref<1x32xi32, #tpu.memory_space<vmem>>
    %dma_wait3A_453 = tpu.memref_squeeze %dma_wait3A_452 : memref<1x32xi32, #tpu.memory_space<vmem>> -> memref<32xi32, #tpu.memory_space<vmem>>
    %dma_wait3A_454 = arith.constant 0 : i32
    %dma_wait3A_455 = arith.constant 0 : i32
    %dma_wait3A_456 = tpu.memref_slice %arg10[%dma_wait3A_454, %dma_wait3A_455] : memref<8704x1024xf32, #tpu.memory_space<hbm>> -> memref<8704x1024xf32, #tpu.memory_space<hbm>>
    tpu.wait_indirect_dma semaphore(%arg25 : memref<!tpu.dma_semaphore, #tpu.memory_space<semaphore_mem>>) src(%dma_wait3A_450 : memref<32x1024xf32, #tpu.memory_space<vmem>>) dst(%dma_wait3A_456 : memref<8704x1024xf32, #tpu.memory_space<hbm>>)
    %dma_wait3A_457 = arith.constant 0 : i32
    %dma_wait3A_458 = tpu.memref_slice %arg6[%mul3A_22, %dma_wait3A_457] : memref<64x128xi32, #tpu.memory_space<hbm>> -> memref<2x128xi32, #tpu.memory_space<hbm>>
    %dma_wait3A_459 = arith.constant 0 : i32
    %dma_wait3A_460 = tpu.memref_slice %arg6[%mul3A_22, %dma_wait3A_459] : memref<64x128xi32, #tpu.memory_space<hbm>> -> memref<2x128xi32, #tpu.memory_space<hbm>>
    tpu.wait_dma2 semaphore(%arg28 : memref<!tpu.dma_semaphore, #tpu.memory_space<semaphore_mem>>) src(%dma_wait3A_460 : memref<2x128xi32, #tpu.memory_space<hbm>>) dst(%arg14 : memref<2x128xi32, #tpu.memory_space<vmem>>)
    %dma_wait3A_461 = arith.constant 0 : i32
    %dma_wait3A_462 = tpu.memref_slice %arg4[%mul3A_27, %dma_wait3A_461] : memref<64x128xf32, #tpu.memory_space<hbm>> -> memref<2x128xf32, #tpu.memory_space<hbm>>
    %dma_wait3A_463 = arith.constant 0 : i32
    %dma_wait3A_464 = tpu.memref_slice %arg4[%mul3A_27, %dma_wait3A_463] : memref<64x128xf32, #tpu.memory_space<hbm>> -> memref<2x128xf32, #tpu.memory_space<hbm>>
    tpu.wait_dma2 semaphore(%arg28 : memref<!tpu.dma_semaphore, #tpu.memory_space<semaphore_mem>>) src(%dma_wait3A_464 : memref<2x128xf32, #tpu.memory_space<hbm>>) dst(%arg15 : memref<2x128xf32, #tpu.memory_space<vmem>>)
    %dma_wait3A_465 = tpu.memref_slice %arg7[%mul3A_33] : memref<512xi32, #tpu.memory_space<hbm>> -> memref<16xi32, #tpu.memory_space<hbm>>
    %dma_wait3A_466 = tpu.memref_slice %arg7[%mul3A_33] : memref<512xi32, #tpu.memory_space<hbm>> -> memref<16xi32, #tpu.memory_space<hbm>>
    tpu.wait_dma2 semaphore(%arg28 : memref<!tpu.dma_semaphore, #tpu.memory_space<semaphore_mem>>) src(%dma_wait3A_466 : memref<16xi32, #tpu.memory_space<hbm>>) dst(%arg17 : memref<16xi32, #tpu.memory_space<vmem>>)
    tpu.wait_dma2 semaphore(%arg28 : memref<!tpu.dma_semaphore, #tpu.memory_space<semaphore_mem>>) src(%arg9 : memref<16x1024xf32, #tpu.memory_space<hbm>>) dst(%arg16 : memref<16x1024xf32, #tpu.memory_space<vmem>>)
    %dma_wait3A_467 = tpu.memref_slice %arg8[%mul3A_37] : memref<512xi32, #tpu.memory_space<hbm>> -> memref<16xi32, #tpu.memory_space<hbm>>
    %dma_wait3A_468 = tpu.memref_slice %arg8[%mul3A_37] : memref<512xi32, #tpu.memory_space<hbm>> -> memref<16xi32, #tpu.memory_space<hbm>>
    tpu.wait_dma2 semaphore(%arg28 : memref<!tpu.dma_semaphore, #tpu.memory_space<semaphore_mem>>) src(%dma_wait3A_468 : memref<16xi32, #tpu.memory_space<hbm>>) dst(%arg18 : memref<16xi32, #tpu.memory_space<vmem>>)
    %dma_start3A_469 = arith.constant 0 : i32
    %dma_start3A_470 = arith.constant 0 : i32
    %dma_start3A_471 = arith.constant 0 : i32
    %dma_start3A_472 = tpu.memref_slice %arg15[%dma_start3A_469, %dma_start3A_471] : memref<2x128xf32, #tpu.memory_space<vmem>> -> memref<1x128xf32, #tpu.memory_space<vmem>>
    %dma_start3A_473 = tpu.memref_squeeze %dma_start3A_472 : memref<1x128xf32, #tpu.memory_space<vmem>> -> memref<128xf32, #tpu.memory_space<vmem>>
    %dma_start3A_474 = arith.constant 0 : i32
    %dma_start3A_475 = tpu.memref_slice %arg14[%dma_start3A_470, %dma_start3A_474] : memref<2x128xi32, #tpu.memory_space<vmem>> -> memref<1x128xi32, #tpu.memory_space<vmem>>
    %dma_start3A_476 = tpu.memref_squeeze %dma_start3A_475 : memref<1x128xi32, #tpu.memory_space<vmem>> -> memref<128xi32, #tpu.memory_space<vmem>>
    %dma_start3A_477 = arith.constant 0 : i32
    %dma_start3A_478 = tpu.memref_slice %arg11[%dma_start3A_477] : memref<8704xf32, #tpu.memory_space<hbm>> -> memref<8704xf32, #tpu.memory_space<hbm>>
    tpu.enqueue_indirect_dma source(%dma_start3A_473 : memref<128xf32, #tpu.memory_space<vmem>>) target(%dma_start3A_478 : memref<8704xf32, #tpu.memory_space<hbm>>) offsets(%dma_start3A_476 : memref<128xi32, #tpu.memory_space<vmem>>) semaphore(%arg28 : memref<!tpu.dma_semaphore, #tpu.memory_space<semaphore_mem>>)
    %dma_start3A_479 = arith.constant 1 : i32
    %dma_start3A_480 = arith.constant 1 : i32
    %dma_start3A_481 = arith.constant 0 : i32
    %dma_start3A_482 = tpu.memref_slice %arg15[%dma_start3A_479, %dma_start3A_481] : memref<2x128xf32, #tpu.memory_space<vmem>> -> memref<1x128xf32, #tpu.memory_space<vmem>>
    %dma_start3A_483 = tpu.memref_squeeze %dma_start3A_482 : memref<1x128xf32, #tpu.memory_space<vmem>> -> memref<128xf32, #tpu.memory_space<vmem>>
    %dma_start3A_484 = arith.constant 0 : i32
    %dma_start3A_485 = tpu.memref_slice %arg14[%dma_start3A_480, %dma_start3A_484] : memref<2x128xi32, #tpu.memory_space<vmem>> -> memref<1x128xi32, #tpu.memory_space<vmem>>
    %dma_start3A_486 = tpu.memref_squeeze %dma_start3A_485 : memref<1x128xi32, #tpu.memory_space<vmem>> -> memref<128xi32, #tpu.memory_space<vmem>>
    %dma_start3A_487 = arith.constant 0 : i32
    %dma_start3A_488 = tpu.memref_slice %arg11[%dma_start3A_487] : memref<8704xf32, #tpu.memory_space<hbm>> -> memref<8704xf32, #tpu.memory_space<hbm>>
    tpu.enqueue_indirect_dma source(%dma_start3A_483 : memref<128xf32, #tpu.memory_space<vmem>>) target(%dma_start3A_488 : memref<8704xf32, #tpu.memory_space<hbm>>) offsets(%dma_start3A_486 : memref<128xi32, #tpu.memory_space<vmem>>) semaphore(%arg28 : memref<!tpu.dma_semaphore, #tpu.memory_space<semaphore_mem>>)
    %dma_start3A_489 = arith.constant 0 : i32
    %dma_start3A_490 = arith.constant 0 : i32
    %dma_start3A_491 = tpu.memref_slice %arg10[%dma_start3A_489, %dma_start3A_490] : memref<8704x1024xf32, #tpu.memory_space<hbm>> -> memref<8704x1024xf32, #tpu.memory_space<hbm>>
    tpu.enqueue_indirect_dma source(%arg16 : memref<16x1024xf32, #tpu.memory_space<vmem>>) target(%dma_start3A_491 : memref<8704x1024xf32, #tpu.memory_space<hbm>>) offsets(%arg17 : memref<16xi32, #tpu.memory_space<vmem>>) semaphore(%arg28 : memref<!tpu.dma_semaphore, #tpu.memory_space<semaphore_mem>>)
    %get3A = arith.constant 0 : index
    %get3A_492 = tpu.vector_load %arg18[%get3A] {strides = array<i32>} : memref<16xi32, #tpu.memory_space<vmem>>, vector<16xi32>,
    %get3A_493 = vector.shape_cast %get3A_492 : vector<16xi32> to vector<16xi32>
    %mul3A_494 = arith.constant 2048 : i32
    %mul3A_495 = arith.muli %select_n3A, %mul3A_494 : i32
    %add3A_496 = vector.broadcast %mul3A_495 : i32 to vector<16xi32>
    %add3A_497 = arith.addi %get3A_493, %add3A_496 : vector<16xi32>
    %dma_start3A_498 = arith.constant 0 : i32
    %dma_start3A_499 = tpu.memref_slice %arg3[%dma_start3A_498] : memref<8192xf32, #tpu.memory_space<hbm>> -> memref<8192xf32, #tpu.memory_space<hbm>>
    tpu.enqueue_indirect_dma source(%dma_start3A_499 : memref<8192xf32, #tpu.memory_space<hbm>>) target(%arg19 : memref<16xf32, #tpu.memory_space<vmem>>) offsets(%add3A_497 : vector<16xi32>) semaphore(%arg20 : memref<!tpu.dma_semaphore, #tpu.memory_space<semaphore_mem>>)
    %dma_wait3A_500 = arith.constant 0 : i32
    %dma_wait3A_501 = tpu.memref_slice %arg3[%dma_wait3A_500] : memref<8192xf32, #tpu.memory_space<hbm>> -> memref<8192xf32, #tpu.memory_space<hbm>>
    tpu.wait_indirect_dma semaphore(%arg20 : memref<!tpu.dma_semaphore, #tpu.memory_space<semaphore_mem>>) src(%dma_wait3A_501 : memref<8192xf32, #tpu.memory_space<hbm>>) dst(%arg19 : memref<16xf32, #tpu.memory_space<vmem>>)
    %dma_start3A_502 = arith.constant 0 : i32
    %dma_start3A_503 = tpu.memref_slice %arg11[%dma_start3A_502] : memref<8704xf32, #tpu.memory_space<hbm>> -> memref<8704xf32, #tpu.memory_space<hbm>>
    tpu.enqueue_indirect_dma source(%arg19 : memref<16xf32, #tpu.memory_space<vmem>>) target(%dma_start3A_503 : memref<8704xf32, #tpu.memory_space<hbm>>) offsets(%arg17 : memref<16xi32, #tpu.memory_space<vmem>>) semaphore(%arg28 : memref<!tpu.dma_semaphore, #tpu.memory_space<semaphore_mem>>)
    %dma_wait3A_504 = arith.constant 0 : i32
    %dma_wait3A_505 = tpu.memref_slice %arg11[%dma_wait3A_504] : memref<8704xf32, #tpu.memory_space<hbm>> -> memref<8704xf32, #tpu.memory_space<hbm>>
    tpu.wait_indirect_dma semaphore(%arg28 : memref<!tpu.dma_semaphore, #tpu.memory_space<semaphore_mem>>) src(%arg19 : memref<16xf32, #tpu.memory_space<vmem>>) dst(%dma_wait3A_505 : memref<8704xf32, #tpu.memory_space<hbm>>)
    %dma_wait3A_506 = arith.constant 0 : i32
    %dma_wait3A_507 = arith.constant 0 : i32
    %dma_wait3A_508 = arith.constant 0 : i32
    %dma_wait3A_509 = tpu.memref_slice %arg15[%dma_wait3A_506, %dma_wait3A_508] : memref<2x128xf32, #tpu.memory_space<vmem>> -> memref<1x128xf32, #tpu.memory_space<vmem>>
    %dma_wait3A_510 = tpu.memref_squeeze %dma_wait3A_509 : memref<1x128xf32, #tpu.memory_space<vmem>> -> memref<128xf32, #tpu.memory_space<vmem>>
    %dma_wait3A_511 = arith.constant 0 : i32
    %dma_wait3A_512 = tpu.memref_slice %arg14[%dma_wait3A_507, %dma_wait3A_511] : memref<2x128xi32, #tpu.memory_space<vmem>> -> memref<1x128xi32, #tpu.memory_space<vmem>>
    %dma_wait3A_513 = tpu.memref_squeeze %dma_wait3A_512 : memref<1x128xi32, #tpu.memory_space<vmem>> -> memref<128xi32, #tpu.memory_space<vmem>>
    %dma_wait3A_514 = arith.constant 0 : i32
    %dma_wait3A_515 = tpu.memref_slice %arg11[%dma_wait3A_514] : memref<8704xf32, #tpu.memory_space<hbm>> -> memref<8704xf32, #tpu.memory_space<hbm>>
    tpu.wait_indirect_dma semaphore(%arg28 : memref<!tpu.dma_semaphore, #tpu.memory_space<semaphore_mem>>) src(%dma_wait3A_510 : memref<128xf32, #tpu.memory_space<vmem>>) dst(%dma_wait3A_515 : memref<8704xf32, #tpu.memory_space<hbm>>)
    %dma_wait3A_516 = arith.constant 1 : i32
    %dma_wait3A_517 = arith.constant 1 : i32
    %dma_wait3A_518 = arith.constant 0 : i32
    %dma_wait3A_519 = tpu.memref_slice %arg15[%dma_wait3A_516, %dma_wait3A_518] : memref<2x128xf32, #tpu.memory_space<vmem>> -> memref<1x128xf32, #tpu.memory_space<vmem>>
    %dma_wait3A_520 = tpu.memref_squeeze %dma_wait3A_519 : memref<1x128xf32, #tpu.memory_space<vmem>> -> memref<128xf32, #tpu.memory_space<vmem>>
    %dma_wait3A_521 = arith.constant 0 : i32
    %dma_wait3A_522 = tpu.memref_slice %arg14[%dma_wait3A_517, %dma_wait3A_521] : memref<2x128xi32, #tpu.memory_space<vmem>> -> memref<1x128xi32, #tpu.memory_space<vmem>>
    %dma_wait3A_523 = tpu.memref_squeeze %dma_wait3A_522 : memref<1x128xi32, #tpu.memory_space<vmem>> -> memref<128xi32, #tpu.memory_space<vmem>>
    %dma_wait3A_524 = arith.constant 0 : i32
    %dma_wait3A_525 = tpu.memref_slice %arg11[%dma_wait3A_524] : memref<8704xf32, #tpu.memory_space<hbm>> -> memref<8704xf32, #tpu.memory_space<hbm>>
    tpu.wait_indirect_dma semaphore(%arg28 : memref<!tpu.dma_semaphore, #tpu.memory_space<semaphore_mem>>) src(%dma_wait3A_520 : memref<128xf32, #tpu.memory_space<vmem>>) dst(%dma_wait3A_525 : memref<8704xf32, #tpu.memory_space<hbm>>)
    %dma_wait3A_526 = arith.constant 0 : i32
    %dma_wait3A_527 = arith.constant 0 : i32
    %dma_wait3A_528 = tpu.memref_slice %arg10[%dma_wait3A_526, %dma_wait3A_527] : memref<8704x1024xf32, #tpu.memory_space<hbm>> -> memref<8704x1024xf32, #tpu.memory_space<hbm>>
    tpu.wait_indirect_dma semaphore(%arg28 : memref<!tpu.dma_semaphore, #tpu.memory_space<semaphore_mem>>) src(%arg16 : memref<16x1024xf32, #tpu.memory_space<vmem>>) dst(%dma_wait3A_528 : memref<8704x1024xf32, #tpu.memory_space<hbm>>)
    return
  }
}

module attributes {stable_mosaic.version = 14 : i64} {
  func.func @_meta_body(%arg0: i32, %arg1: memref<1x128x1xi32, #tpu.memory_space<vmem>>, %arg2: memref<1x1x128xi32, #tpu.memory_space<vmem>>, %arg3: memref<1x1x2048xi32, #tpu.memory_space<vmem>>, %arg4: memref<1x1x128xi32, #tpu.memory_space<vmem>>, %arg5: memref<1x1x2176xi32, #tpu.memory_space<vmem>>, %arg6: memref<1x1x2176xi32, #tpu.memory_space<vmem>>) attributes {dimension_semantics = [#tpu.dimension_semantics<arbitrary>], iteration_bounds = array<i64: 4>, scalar_prefetch = 0 : i64, scratch_operands = 0 : i64, tpu.core_type = #tpu.core_type<tc>, window_params = [{transform_indices = @transform_0, window_bounds = array<i64: 1, 128, 1>}, {transform_indices = @transform_1, window_bounds = array<i64: 1, 1, 128>}, {transform_indices = @transform_2, window_bounds = array<i64: 1, 1, 2048>}, {transform_indices = @transform_3, window_bounds = array<i64: 1, 1, 128>}, {transform_indices = @transform_4, window_bounds = array<i64: 1, 1, 2176>}, {transform_indices = @transform_5, window_bounds = array<i64: 1, 1, 2176>}]} {
    %get3A = arith.constant 0 : index
    %get3A_0 = arith.constant 0 : index
    %get3A_1 = arith.constant 0 : index
    %get3A_2 = vector.load %arg1[%get3A, %get3A_0, %get3A_1] : memref<1x128x1xi32, #tpu.memory_space<vmem>>, vector<1x128x1xi32>
    %get3A_3 = vector.shape_cast %get3A_2 : vector<1x128x1xi32> to vector<128x1xi32>
    %iota3A = tpu.iota {dimensions = array<i32: 0>} : vector<128x1xi32>
    %add3A = arith.addi %get3A_3, %iota3A : vector<128x1xi32>
    %add3A_4 = arith.constant 1 : i32
    %add3A_5 = vector.broadcast %add3A_4 : i32 to vector<128x1xi32>
    %add3A_6 = arith.addi %add3A, %add3A_5 : vector<128x1xi32>
    %iota3A_7 = tpu.iota {dimensions = array<i32: 1>} : vector<1x2048xi32>
    %iota3A_8 = tpu.iota {dimensions = array<i32: 1>} : vector<1x2176xi32>
    %lt3A = vector.broadcast %get3A_3 : vector<128x1xi32> to vector<128x2048xi32>
    %lt3A_9 = vector.broadcast %iota3A_7 : vector<1x2048xi32> to vector<128x2048xi32>
    %lt3A_10 = arith.cmpi slt, %lt3A, %lt3A_9 : vector<128x2048xi32>
    %convert_element_type3A = arith.extui %lt3A_10 : vector<128x2048xi1> to vector<128x2048xi32>
    %reduce_sum3A = arith.constant dense<0> : vector<2048xi32>
    %reduce_sum3A_11 = vector.multi_reduction <add>, %convert_element_type3A, %reduce_sum3A [0] : vector<128x2048xi32> to vector<2048xi32>
    %broadcast_in_dim3A = vector.shape_cast %reduce_sum3A_11 : vector<2048xi32> to vector<1x2048xi32>
    %le3A = vector.broadcast %add3A_6 : vector<128x1xi32> to vector<128x2176xi32>
    %le3A_12 = vector.broadcast %iota3A_8 : vector<1x2176xi32> to vector<128x2176xi32>
    %le3A_13 = arith.cmpi sle, %le3A, %le3A_12 : vector<128x2176xi32>
    %convert_element_type3A_14 = arith.extui %le3A_13 : vector<128x2176xi1> to vector<128x2176xi32>
    %reduce_sum3A_15 = arith.constant dense<0> : vector<2176xi32>
    %reduce_sum3A_16 = vector.multi_reduction <add>, %convert_element_type3A_14, %reduce_sum3A_15 [0] : vector<128x2176xi32> to vector<2176xi32>
    %broadcast_in_dim3A_17 = vector.shape_cast %reduce_sum3A_16 : vector<2176xi32> to vector<1x2176xi32>
    %eq3A = vector.broadcast %add3A_6 : vector<128x1xi32> to vector<128x2176xi32>
    %eq3A_18 = vector.broadcast %iota3A_8 : vector<1x2176xi32> to vector<128x2176xi32>
    %eq3A_19 = arith.cmpi eq, %eq3A, %eq3A_18 : vector<128x2176xi32>
    %convert_element_type3A_20 = arith.extui %eq3A_19 : vector<128x2176xi1> to vector<128x2176xi32>
    %reduce_sum3A_21 = arith.constant dense<0> : vector<2176xi32>
    %reduce_sum3A_22 = vector.multi_reduction <add>, %convert_element_type3A_20, %reduce_sum3A_21 [0] : vector<128x2176xi32> to vector<2176xi32>
    %broadcast_in_dim3A_23 = vector.shape_cast %reduce_sum3A_22 : vector<2176xi32> to vector<1x2176xi32>
    %add3A_24 = arith.addi %iota3A_7, %broadcast_in_dim3A : vector<1x2048xi32>
    %mul3A = arith.constant 2176 : i32
    %mul3A_25 = arith.muli %arg0, %mul3A : i32
    %add3A_26 = vector.broadcast %mul3A_25 : i32 to vector<1x2048xi32>
    %add3A_27 = arith.addi %add3A_24, %add3A_26 : vector<1x2048xi32>
    %swap3A = arith.constant 0 : index
    %swap3A_28 = arith.constant 0 : index
    %swap3A_29 = arith.constant 0 : index
    %swap3A_30 = vector.load %arg3[%swap3A, %swap3A_28, %swap3A_29] : memref<1x1x2048xi32, #tpu.memory_space<vmem>>, vector<1x1x2048xi32>
    %swap3A_31 = vector.shape_cast %swap3A_30 : vector<1x1x2048xi32> to vector<1x2048xi32>
    %swap3A_32 = vector.shape_cast %add3A_27 : vector<1x2048xi32> to vector<1x1x2048xi32>
    tpu.vector_store %arg3[%swap3A, %swap3A_28, %swap3A_29], %swap3A_32 {strides = array<i32>} : memref<1x1x2048xi32, #tpu.memory_space<vmem>>, vector<1x1x2048xi32>,
    %iota3A_33 = tpu.iota {dimensions = array<i32: 1>} : vector<1x128xi32>
    %get3A_34 = arith.constant 0 : index
    %get3A_35 = arith.constant 0 : index
    %get3A_36 = arith.constant 0 : index
    %get3A_37 = vector.load %arg2[%get3A_34, %get3A_35, %get3A_36] : memref<1x1x128xi32, #tpu.memory_space<vmem>>, vector<1x1x128xi32>
    %get3A_38 = vector.shape_cast %get3A_37 : vector<1x1x128xi32> to vector<1x128xi32>
    %add3A_39 = arith.addi %get3A_38, %iota3A_33 : vector<1x128xi32>
    %add3A_40 = arith.constant 1 : i32
    %add3A_41 = vector.broadcast %add3A_40 : i32 to vector<1x128xi32>
    %add3A_42 = arith.addi %add3A_39, %add3A_41 : vector<1x128xi32>
    %mul3A_43 = arith.constant 2176 : i32
    %mul3A_44 = arith.muli %arg0, %mul3A_43 : i32
    %add3A_45 = vector.broadcast %mul3A_44 : i32 to vector<1x128xi32>
    %add3A_46 = arith.addi %add3A_42, %add3A_45 : vector<1x128xi32>
    %swap3A_47 = arith.constant 0 : index
    %swap3A_48 = arith.constant 0 : index
    %swap3A_49 = arith.constant 0 : index
    %swap3A_50 = vector.load %arg4[%swap3A_47, %swap3A_48, %swap3A_49] : memref<1x1x128xi32, #tpu.memory_space<vmem>>, vector<1x1x128xi32>
    %swap3A_51 = vector.shape_cast %swap3A_50 : vector<1x1x128xi32> to vector<1x128xi32>
    %swap3A_52 = vector.shape_cast %add3A_46 : vector<1x128xi32> to vector<1x1x128xi32>
    tpu.vector_store %arg4[%swap3A_47, %swap3A_48, %swap3A_49], %swap3A_52 {strides = array<i32>} : memref<1x1x128xi32, #tpu.memory_space<vmem>>, vector<1x1x128xi32>,
    %swap3A_53 = arith.constant 0 : index
    %swap3A_54 = arith.constant 0 : index
    %swap3A_55 = arith.constant 0 : index
    %swap3A_56 = vector.load %arg5[%swap3A_53, %swap3A_54, %swap3A_55] : memref<1x1x2176xi32, #tpu.memory_space<vmem>>, vector<1x1x2176xi32>
    %swap3A_57 = vector.shape_cast %swap3A_56 : vector<1x1x2176xi32> to vector<1x2176xi32>
    %swap3A_58 = vector.shape_cast %broadcast_in_dim3A_17 : vector<1x2176xi32> to vector<1x1x2176xi32>
    tpu.vector_store %arg5[%swap3A_53, %swap3A_54, %swap3A_55], %swap3A_58 {strides = array<i32>} : memref<1x1x2176xi32, #tpu.memory_space<vmem>>, vector<1x1x2176xi32>,
    %swap3A_59 = arith.constant 0 : index
    %swap3A_60 = arith.constant 0 : index
    %swap3A_61 = arith.constant 0 : index
    %swap3A_62 = vector.load %arg6[%swap3A_59, %swap3A_60, %swap3A_61] : memref<1x1x2176xi32, #tpu.memory_space<vmem>>, vector<1x1x2176xi32>
    %swap3A_63 = vector.shape_cast %swap3A_62 : vector<1x1x2176xi32> to vector<1x2176xi32>
    %swap3A_64 = vector.shape_cast %broadcast_in_dim3A_23 : vector<1x2176xi32> to vector<1x1x2176xi32>
    tpu.vector_store %arg6[%swap3A_59, %swap3A_60, %swap3A_61], %swap3A_64 {strides = array<i32>} : memref<1x1x2176xi32, #tpu.memory_space<vmem>>, vector<1x1x2176xi32>,
    return
  }
  func.func @transform_0(%arg0: i32) -> (i32, i32, i32) {
    %c0_i32 = arith.constant 0 : i32
    %c0_i32_0 = arith.constant 0 : i32
    %c0_i32_1 = arith.constant 0 : i32
    return %arg0, %c0_i32, %c0_i32_0 : i32, i32, i32
  }
  func.func @transform_1(%arg0: i32) -> (i32, i32, i32) {
    %c0_i32 = arith.constant 0 : i32
    %c0_i32_0 = arith.constant 0 : i32
    %c0_i32_1 = arith.constant 0 : i32
    return %arg0, %c0_i32, %c0_i32_0 : i32, i32, i32
  }
  func.func @transform_2(%arg0: i32) -> (i32, i32, i32) {
    %c0_i32 = arith.constant 0 : i32
    %c0_i32_0 = arith.constant 0 : i32
    %c0_i32_1 = arith.constant 0 : i32
    return %arg0, %c0_i32, %c0_i32_0 : i32, i32, i32
  }
  func.func @transform_3(%arg0: i32) -> (i32, i32, i32) {
    %c0_i32 = arith.constant 0 : i32
    %c0_i32_0 = arith.constant 0 : i32
    %c0_i32_1 = arith.constant 0 : i32
    return %arg0, %c0_i32, %c0_i32_0 : i32, i32, i32
  }
  func.func @transform_4(%arg0: i32) -> (i32, i32, i32) {
    %c0_i32 = arith.constant 0 : i32
    %c0_i32_0 = arith.constant 0 : i32
    %c0_i32_1 = arith.constant 0 : i32
    return %arg0, %c0_i32, %c0_i32_0 : i32, i32, i32
  }
  func.func @transform_5(%arg0: i32) -> (i32, i32, i32) {
    %c0_i32 = arith.constant 0 : i32
    %c0_i32_0 = arith.constant 0 : i32
    %c0_i32_1 = arith.constant 0 : i32
    return %arg0, %c0_i32, %c0_i32_0 : i32, i32, i32
  }
}

module attributes {stable_mosaic.version = 14 : i64} {
  func.func @_mask_body(%arg0: i32, %arg1: i32, %arg2: memref<1x1x128xi32, #tpu.memory_space<vmem>>, %arg3: memref<1x1x2176xi32, #tpu.memory_space<vmem>>, %arg4: memref<1x1x2176xi32, #tpu.memory_space<vmem>>, %arg5: memref<1x128x2176xi8, #tpu.memory_space<vmem>>) attributes {dimension_semantics = [#tpu.dimension_semantics<arbitrary>, #tpu.dimension_semantics<arbitrary>], iteration_bounds = array<i64: 4, 17>, scalar_prefetch = 0 : i64, scratch_operands = 0 : i64, tpu.core_type = #tpu.core_type<tc>, window_params = [{transform_indices = @transform_0, window_bounds = array<i64: 1, 1, 128>}, {transform_indices = @transform_1, window_bounds = array<i64: 1, 1, 2176>}, {transform_indices = @transform_2, window_bounds = array<i64: 1, 1, 2176>}, {transform_indices = @transform_3, window_bounds = array<i64: 1, 128, 2176>}]} {
    %iota3A = tpu.iota {dimensions = array<i32: 1>} : vector<1x128xi32>
    %get3A = arith.constant 0 : index
    %get3A_0 = arith.constant 0 : index
    %get3A_1 = arith.constant 0 : index
    %get3A_2 = vector.load %arg2[%get3A, %get3A_0, %get3A_1] : memref<1x1x128xi32, #tpu.memory_space<vmem>>, vector<1x1x128xi32>
    %get3A_3 = vector.shape_cast %get3A_2 : vector<1x1x128xi32> to vector<1x128xi32>
    %add3A = arith.addi %get3A_3, %iota3A : vector<1x128xi32>
    %add3A_4 = arith.constant 1 : i32
    %add3A_5 = vector.broadcast %add3A_4 : i32 to vector<1x128xi32>
    %add3A_6 = arith.addi %add3A, %add3A_5 : vector<1x128xi32>
    %iota3A_7 = tpu.iota {dimensions = array<i32: 0>} : vector<128x1xi32>
    %mul3A = arith.constant 128 : i32
    %mul3A_8 = arith.muli %arg1, %mul3A : i32
    %add3A_9 = vector.broadcast %mul3A_8 : i32 to vector<128x1xi32>
    %add3A_10 = arith.addi %iota3A_7, %add3A_9 : vector<128x1xi32>
    %le3A = vector.broadcast %add3A_6 : vector<1x128xi32> to vector<128x128xi32>
    %le3A_11 = vector.broadcast %add3A_10 : vector<128x1xi32> to vector<128x128xi32>
    %le3A_12 = arith.cmpi sle, %le3A, %le3A_11 : vector<128x128xi32>
    %broadcast_in_dim3A = vector.shape_cast %add3A_6 : vector<1x128xi32> to vector<1x128xi32>
    %broadcast_in_dim3A_13 = vector.broadcast %broadcast_in_dim3A : vector<1x128xi32> to vector<128x128xi32>
    %jit3A = arith.constant 0 : i32
    %broadcast_in_dim3A_14 = vector.broadcast %jit3A : i32 to vector<128x128xi32>
    %select_n3A = arith.select %le3A_12, %broadcast_in_dim3A_13, %broadcast_in_dim3A_14 : vector<128x128xi1>, vector<128x128xi32>
    %reduce_max3A = arith.constant dense<-2147483648> : vector<128xi32>
    %reduce_max3A_15 = vector.multi_reduction <maxsi>, %select_n3A, %reduce_max3A [1] : vector<128x128xi32> to vector<128xi32>
    %broadcast_in_dim3A_16 = vector.shape_cast %reduce_max3A_15 : vector<128xi32> to vector<128x1xi32>
    %eq3A = vector.broadcast %add3A_6 : vector<1x128xi32> to vector<128x128xi32>
    %eq3A_17 = vector.broadcast %add3A_10 : vector<128x1xi32> to vector<128x128xi32>
    %eq3A_18 = arith.cmpi eq, %eq3A, %eq3A_17 : vector<128x128xi32>
    %convert_element_type3A = arith.extui %eq3A_18 : vector<128x128xi1> to vector<128x128xi32>
    %reduce_max3A_19 = arith.constant dense<-2147483648> : vector<128xi32>
    %reduce_max3A_20 = vector.multi_reduction <maxsi>, %convert_element_type3A, %reduce_max3A_19 [1] : vector<128x128xi32> to vector<128xi32>
    %broadcast_in_dim3A_21 = vector.shape_cast %reduce_max3A_20 : vector<128xi32> to vector<128x1xi32>
    %gt3A = arith.constant 0 : i32
    %gt3A_22 = vector.broadcast %gt3A : i32 to vector<128x1xi32>
    %gt3A_23 = arith.cmpi sgt, %broadcast_in_dim3A_21, %gt3A_22 : vector<128x1xi32>
    %jit3A_24 = arith.constant 0 : i32
    %broadcast_in_dim3A_25 = vector.broadcast %jit3A_24 : i32 to vector<128x1xi32>
    %select_n3A_26 = arith.select %gt3A_23, %broadcast_in_dim3A_25, %broadcast_in_dim3A_16 : vector<128x1xi1>, vector<128x1xi32>
    %iota3A_27 = tpu.iota {dimensions = array<i32: 1>} : vector<1x2176xi32>
    %get3A_28 = arith.constant 0 : index
    %get3A_29 = arith.constant 0 : index
    %get3A_30 = arith.constant 0 : index
    %get3A_31 = vector.load %arg4[%get3A_28, %get3A_29, %get3A_30] : memref<1x1x2176xi32, #tpu.memory_space<vmem>>, vector<1x1x2176xi32>
    %get3A_32 = vector.shape_cast %get3A_31 : vector<1x1x2176xi32> to vector<1x2176xi32>
    %eq3A_33 = vector.broadcast %iota3A_27 : vector<1x2176xi32> to vector<128x2176xi32>
    %eq3A_34 = vector.broadcast %broadcast_in_dim3A_16 : vector<128x1xi32> to vector<128x2176xi32>
    %eq3A_35 = arith.cmpi eq, %eq3A_33, %eq3A_34 : vector<128x2176xi32>
    %broadcast_in_dim3A_36 = vector.shape_cast %get3A_32 : vector<1x2176xi32> to vector<1x2176xi32>
    %broadcast_in_dim3A_37 = vector.broadcast %broadcast_in_dim3A_36 : vector<1x2176xi32> to vector<128x2176xi32>
    %jit3A_38 = arith.constant 0 : i32
    %broadcast_in_dim3A_39 = vector.broadcast %jit3A_38 : i32 to vector<128x2176xi32>
    %select_n3A_40 = arith.select %eq3A_35, %broadcast_in_dim3A_39, %broadcast_in_dim3A_37 : vector<128x2176xi1>, vector<128x2176xi32>
    %lt3A = vector.broadcast %iota3A_27 : vector<1x2176xi32> to vector<128x2176xi32>
    %lt3A_41 = vector.broadcast %select_n3A_26 : vector<128x1xi32> to vector<128x2176xi32>
    %lt3A_42 = arith.cmpi slt, %lt3A, %lt3A_41 : vector<128x2176xi32>
    %jit3A_43 = arith.constant 1 : i32
    %broadcast_in_dim3A_44 = vector.broadcast %jit3A_43 : i32 to vector<128x2176xi32>
    %select_n3A_45 = arith.select %lt3A_42, %broadcast_in_dim3A_44, %select_n3A_40 : vector<128x2176xi1>, vector<128x2176xi32>
    %convert_element_type3A_46 = arith.trunci %select_n3A_45 : vector<128x2176xi32> to vector<128x2176xi8>
    %swap3A = arith.constant 0 : index
    %swap3A_47 = arith.constant 0 : index
    %swap3A_48 = arith.constant 0 : index
    %swap3A_49 = vector.load %arg5[%swap3A, %swap3A_47, %swap3A_48] : memref<1x128x2176xi8, #tpu.memory_space<vmem>>, vector<1x128x2176xi8>
    %swap3A_50 = vector.shape_cast %swap3A_49 : vector<1x128x2176xi8> to vector<128x2176xi8>
    %swap3A_51 = vector.shape_cast %convert_element_type3A_46 : vector<128x2176xi8> to vector<1x128x2176xi8>
    tpu.vector_store %arg5[%swap3A, %swap3A_47, %swap3A_48], %swap3A_51 {strides = array<i32>} : memref<1x128x2176xi8, #tpu.memory_space<vmem>>, vector<1x128x2176xi8>,
    return
  }
  func.func @transform_0(%arg0: i32, %arg1: i32) -> (i32, i32, i32) {
    %c0_i32 = arith.constant 0 : i32
    %c0_i32_0 = arith.constant 0 : i32
    %c0_i32_1 = arith.constant 0 : i32
    return %arg0, %c0_i32, %c0_i32_0 : i32, i32, i32
  }
  func.func @transform_1(%arg0: i32, %arg1: i32) -> (i32, i32, i32) {
    %c0_i32 = arith.constant 0 : i32
    %c0_i32_0 = arith.constant 0 : i32
    %c0_i32_1 = arith.constant 0 : i32
    return %arg0, %c0_i32, %c0_i32_0 : i32, i32, i32
  }
  func.func @transform_2(%arg0: i32, %arg1: i32) -> (i32, i32, i32) {
    %c0_i32 = arith.constant 0 : i32
    %c0_i32_0 = arith.constant 0 : i32
    %c0_i32_1 = arith.constant 0 : i32
    return %arg0, %c0_i32, %c0_i32_0 : i32, i32, i32
  }
  func.func @transform_3(%arg0: i32, %arg1: i32) -> (i32, i32, i32) {
    %c0_i32 = arith.constant 0 : i32
    %c0_i32_0 = arith.constant 0 : i32
    return %arg0, %arg1, %c0_i32 : i32, i32, i32
  }
}

</mosaic_0001>

<sc_bundles>
// kernel: kernel.5.cloned.1.call-start
scs
__scs_entry_jumppad:
0x0: {  	(pc) =	sbr.rel $0x88, $3  }
0x1: {  	(tag) =	ssettag $0x0;
	lr =	simm.s32 $0x1  }
0x2: {  	[smem:$0x3F9D] =	sst lr;
	_ =	strace $0xD0000000  }
0x3: {  	_ = 	snop  }
0x4: {  	_ = 	snop  }
0x5: {  	_ = 	snop  }
0x6: {  	_ = 	snop  }
0x7: {  	_ = 	snop  }
__scs_overlays_trampoline_lowered:
0x8: {  	[smem:$0x3FAC] =	sst s0  }
0x9: {  	[smem:$0x3FAD] =	sst s1  }
0xa: {  	[smem:$0x3FAE] =	sst s2  }
0xb: {  	[smem:$0x3FAF] =	sst s3  }
0xc: {  	[smem:$0x3FB0] =	sst s4  }
0xd: {  	[smem:$0x3FB1] =	sst s5  }
0xe: {  	[smem:$0x3FB2] =	sst s6  }
0xf: {  	[smem:$0x3FB3] =	sst s7  }
0x10: {  	[smem:$0x3FB4] =	sst s8  }
0x11: {  	[smem:$0x3FB5] =	sst s9;
	s0 =	simm.s32 @!p0 $0x0  }
0x12: {  	s1 =	sld [smem:$0x3F9B];
	s0 =	simm.s32 @p0 $0x1  }
0x13: {  	[smem:$0x3FB6] =	sst s0;
	s0 =	simm.s32 @!p1 $0x0  }
0x14: {  	s2 =	sld [smem:$0x3F9A];
	s0 =	simm.s32 @p1 $0x1  }
0x15: {  	[smem:$0x3FB7] =	sst s0;
	s0 =	simm.s32 @!p2 $0x0  }
0x16: {  	s3 =	sld [smem:$0x3FDB];
	s0 =	simm.s32 @p2 $0x1  }
0x17: {  	s4 =	simm.s32 $0x1BF5;
	[smem:$0x3FB9] =	sst s0  }
0x18: {  	s0 =	sld [smem:$0x3F9C];
	_ =	swait.ge [sflag:s4], $0x0  }
0x19: {  	s7 =	sld [smem:$0x3F9D]  }
0x1a: {  	s8 =	sadd.s32 $0xFFFFE003, lr  }
0x1b: {  	s9 =	sadd.s32 $0xFFFFFEF7, lr;
	s5 =	simm.s32 $0xFFFFFFFF;
	p2 =	slt.u32 s8, $0xFFFFF086  }
0x1c: {  	p1 =	slt.u32 s9, $0xF7A;
	s5 =	simm.s32 @!p2 $0x0  }
0x1d: {  	s5 =	simm.s32 @p1 $0x1;
	p0 =	seq.s32 s7, s2  }
0x1e: {  	s7 =	smul.u32 @!p0 $0xF7A, s2;
	p2 =	seq.s32 @!p0 s5, $0x0  }
0x1f: {  	s9 =	smul.u32 $0xF7A, s1;
	s8 =	simm.s32 @!p0 $0x1BF5;
	p2 =	por !p2, p0  }
0x20: {  	[sflag:s8] =	ssyncset.s32 @!p0 $0xFFFFF086;
	s6 =	sadd.s32 @!p0 s3, s7;
	s7 =	simm.s32 @!p0 $0x108  }
0x21: {  	s3 =	sadd.s32 s3, s9;
	s6 =	sadd.s32 @!p0 $0x88, s6;
	s7 =	simm.s32 @p2 $0x1082  }
0x22: {  	[simem:s7], [sflag:s8] =	dma.local @!p0 [hbm:s6], $0xF7A  }
0x23: {  	s9 =	sor.u32 $0xD0000000, s2;
	s6 =	simm.s32 $0x108;
	_ =	swait.ge @!p0 [sflag:s8], $0x0  }
0x24: {  	s3 =	sadd.s32 $0x88, s3;
	s6 =	simm.s32 @!p1 $0x1082;
	[sflag:s4] =	ssyncset.s32 $0xFFFFF086  }
0x25: {  	[simem:s6], [sflag:s4] =	dma.local [hbm:s3], $0xF7A  }
0x26: {  	[smem:$0x3F9D] =	sst s1;
	(tag) =	ssettag s2;
	_ =	strace s9  }
0x27: {  	s1 =	sld [smem:$0x3FAD]  }
0x28: {  	s2 =	sld [smem:$0x3FAE]  }
0x29: {  	s4 =	sld [smem:$0x3FB0]  }
0x2a: {  	p0 =	seq.s32 s5, $0x0;
	s5 =	sld [smem:$0x3FB1]  }
0x2b: {  	s6 =	sld [smem:$0x3FB2]  }
0x2c: {  	s7 =	sld [smem:$0x3FB3]  }
0x2d: {  	s3 =	simm.s32 $0x108;
	s8 =	sld [smem:$0x3FB4]  }
0x2e: {  	s3 =	simm.s32 @!p0 $0x1082;
	s9 =	sld [smem:$0x3FB5]  }
0x2f: {  	lr =	sadd.s32 s0, s3;
	s0 =	sld [smem:$0x3FAC]  }
0x30: {  	s3 =	sld [smem:$0x3FAF]  }
0x31: {  	[smem:$0x3FB8] =	sst s10  }
0x32: {  	s10 =	sld [smem:$0x3FB6];
	_ =	sdelay $0x3  }
0x33: {  	p0 =	seq.s32 s10, $0x1;
	s10 =	sld [smem:$0x3FB8];
	_ =	sdelay $0x3  }
0x34: {  	[smem:$0x3FB8] =	sst s10  }
0x35: {  	s10 =	sld [smem:$0x3FB7];
	_ =	sdelay $0x3  }
0x36: {  	p1 =	seq.s32 s10, $0x1;
	s10 =	sld [smem:$0x3FB8];
	_ =	sdelay $0x3  }
0x37: {  	[smem:$0x3FB8] =	sst s10  }
0x38: {  	s10 =	sld [smem:$0x3FB9]  }
0x39: {  	_ = 	snop;
	(pc) =	sbr.ind lr, $3  }
0x3a: {  	_ = 	snop  }
0x3b: {  	_ = 	snop  }
0x3c: {  	p2 =	seq.s32 s10, $0x1;
	s10 =	sld [smem:$0x3FB8]  }
0x3d: {  	_ =	shalt  }
0x3e: {  	_ =	shalt  }
0x3f: {  	_ =	shalt  }
0x40: {  	_ =	shalt  }
0x41: {  	_ =	shalt  }
0x42: {  	_ =	shalt  }
0x43: {  	_ =	shalt  }
0x44: {  	_ =	shalt  }
0x45: {  	_ =	shalt  }
0x46: {  	_ =	shalt  }
0x47: {  	_ =	shalt  }
0x48: {  	_ =	shalt  }
0x49: {  	_ =	shalt  }
0x4a: {  	_ =	shalt  }
0x4b: {  	_ =	shalt  }
0x4c: {  	_ =	shalt  }
0x4d: {  	_ =	shalt  }
0x4e: {  	_ =	shalt  }
0x4f: {  	_ =	shalt  }
0x50: {  	_ =	shalt  }
0x51: {  	_ =	shalt  }
0x52: {  	_ =	shalt  }
0x53: {  	_ =	shalt  }
0x54: {  	_ =	shalt  }
0x55: {  	_ =	shalt  }
0x56: {  	_ =	shalt  }
0x57: {  	_ =	shalt  }
0x58: {  	_ =	shalt  }
0x59: {  	_ =	shalt  }
0x5a: {  	_ =	shalt  }
0x5b: {  	_ =	shalt  }
0x5c: {  	_ =	shalt  }
0x5d: {  	_ =	shalt  }
0x5e: {  	_ =	shalt  }
0x5f: {  	_ =	shalt  }
0x60: {  	_ =	shalt  }
0x61: {  	_ =	shalt  }
0x62: {  	_ =	shalt  }
0x63: {  	_ =	shalt  }
0x64: {  	_ =	shalt  }
0x65: {  	_ =	shalt  }
0x66: {  	_ =	shalt  }
0x67: {  	_ =	shalt  }
0x68: {  	_ =	shalt  }
0x69: {  	_ =	shalt  }
0x6a: {  	_ =	shalt  }
0x6b: {  	_ =	shalt  }
0x6c: {  	_ =	shalt  }
0x6d: {  	_ =	shalt  }
0x6e: {  	_ =	shalt  }
0x6f: {  	_ =	shalt  }
0x70: {  	_ =	shalt  }
0x71: {  	_ =	shalt  }
0x72: {  	_ =	shalt  }
0x73: {  	_ =	shalt  }
0x74: {  	_ =	shalt  }
0x75: {  	_ =	shalt  }
0x76: {  	_ =	shalt  }
0x77: {  	_ =	shalt  }
0x78: {  	_ =	shalt  }
0x79: {  	_ =	shalt  }
0x7a: {  	_ =	shalt  }
0x7b: {  	_ =	shalt  }
0x7c: {  	_ =	shalt  }
0x7d: {  	_ =	shalt  }
0x7e: {  	_ =	shalt  }
0x7f: {  	_ =	shalt  }
0x80: {  	_ =	shalt  }
0x81: {  	_ =	shalt  }
0x82: {  	_ =	shalt  }
0x83: {  	_ =	shalt  }
0x84: {  	_ =	shalt  }
0x85: {  	_ =	shalt  }
0x86: {  	_ =	shalt  }
0x87: {  	_ =	shalt  }
.Lfunc_end0:
.L_simem_size_0:
called_computation_lowered:
.L_overlay_start_0:
0x88: {  	s2 =	sld [smem:$0x3FD9]  }
0x89: {  	s3 =	sld [smem:$0x3FFE];
	_ =	sdelay $0x1  }
0x8a: {  	s1 =	srdreg.scid  }
0x8b: {  	s0 =	sand.u32 $0x1, s1  }
0x8c: {  	s14 =	sshll.u32 s0, $0xA;
	s2 =	sadd.s32 s3, s2  }
0x8d: {  	s2 =	sadd.s32 s2, s14  }
0x8e: {  	[smem:$0x3FC4] =	sst s2  }
0x8f: {  	_ = 	snop  }
0x90: {  	s2 =	sld [smem:$0x3FD0];
	_ =	sdelay $0x1  }
0x91: {  	s15 =	sld [smem:$0x3FC9]  }
0x92: {  	s5 =	simm.s32 $0xA;
	s6 =	simm.s32 $0x10;
	s4 =	sld [smem:$0x3FC7]  }
0x93: {  	[smem:s6], [sflag:s5] =	dma.local [hbm:s2], $0x1  }
0x94: {  	_ =	swait.eq [sflag:s5], $0x1  }
0x95: {  	[sflag:s5] =	ssyncset.done $0x0  }
0x96: {  	s16 =	sld [smem:$0x10];
	[sflag:s5] =	ssyncadd.s32 $0xFFFFFFFF  }
0x97: {  	s17 =	sld [smem:$0x11];
	(tm) =	ssettm $0x1  }
0x98: {  	s18 =	sld [smem:$0x3FFB];
	_ =	sdelay $0x3  }
0x99: {  	_ =	strace s18  }
0x9a: {  	s6 =	sld [smem:$0x3FFC];
	_ =	sdelay $0x3  }
0x9b: {  	_ =	strace s6  }
0x9c: {  	s6 =	sld [smem:$0x3FFD];
	_ =	sdelay $0x3  }
0x9d: {  	_ =	strace s6  }
0x9e: {  	_ =	strace $0x8FFFFFFF  }
0x9f: {  	s19 =	sld [smem:$0x3FDB];
	_ =	sdelay $0x1  }
0xa0: {  	s7 =	simm.s32 $_scs_section_size  }
0xa1: {  	s8 =	simm.s32 $_size__tile_overlayer_lowered;
	s9 =	simm.s32 $_tile_overlayer_lowered  }
0xa2: {  	s22 =	simm.s32 $0x1BFF;
	s21 =	sshll.u32 s9, $0x1;
	s6 =	sadd.s32 s7, s19  }
0xa3: {  	s10 =	simm.s32 $0x0;
	s20 =	sshll.u32 s8, $0x1;
	s8 =	sadd.s32 s21, s6  }
0xa4: {  	[timem:s10], [sflag:s22] =	dma.local [hbm:s8], s20  }
0xa5: {  	_ =	swait.ge [sflag:s22], s20  }
0xa6: {  	s7 =	ssub.s32 $0x0, s20;
	[sflag:s22] =	ssyncset.done $0x0  }
0xa7: {  	[sflag:s22] =	ssyncadd.s32 s7;
	_ =	sdelay $0x1  }
0xa8: {  	s23 =	simm.s32 $0x1B8B  }
0xa9: {  	_ =	swait.ge [sflag:s23], $0x1  }
0xaa: {  	[sflag:s23] =	ssyncset.done $0x0  }
0xab: {  	s25 =	simm.s32 $0x1B8E;
	s24 =	sld [smem:$0x3FFE];
	[sflag:s23] =	ssyncadd.s32 $0xFFFFFFFF  }
0xac: {  	s26 =	simm.s32 $execute0_lowered;
	[smem:$0x3FD2] =	sst s25  }
0xad: {  	s8 =	sshll.u32 s26, $0x1;
	_ =	strace $0x80000046;
	[dreg:$0x1] =	wrdreg $0xFFFFFFFF  }
0xae: {  	s28 =	simm.s32 $_size_execute0_lowered;
	s6 =	sadd.s32 s6, s8;
	[dreg:$0x0] =	wrdreg $0x0  }
0xaf: {  	s8 =	sshll.u32 s28, $0x1;
	[dreg:$0x2] =	wrdreg s6  }
0xb0: {  	[dreg:$0x3] =	wrdreg s8  }
0xb1: {  	[dreg:$0x4] =	wrdreg $0xC0  }
0xb2: {  	_ =	task [dreg:s10], $0x5FFFF  }
0xb3: {  	[dreg:$0x1] =	wrdreg $0xFFFFFFFF  }
0xb4: {  	[dreg:$0x0] =	wrdreg $0x60  }
0xb5: {  	[dreg:$0x2] =	wrdreg s15  }
0xb6: {  	[dreg:$0x3] =	wrdreg s17  }
0xb7: {  	[dreg:$0x4] =	wrdreg s24  }
0xb8: {  	[dreg:$0x5] =	wrdreg s4  }
0xb9: {  	[dreg:$0x6] =	wrdreg s16  }
0xba: {  	[dreg:$0x7] =	wrdreg $0x9  }
0xbb: {  	_ =	task.clear_ibuf [dreg:s10], $0x8FFFF;
	_ =	strace $0x90000046  }
0xbc: {  	s29 =	simm.s32 $0x9;
	_ =	strace $0x80000048  }
0xbd: {  	_ =	swait.ge [sflag:s29], $0x1  }
0xbe: {  	[sflag:s29] =	ssyncadd.s32 $0xFFFFFFFF  }
0xbf: {  	_ =	strace $0x90000048  }
0xc0: {  	_ =	sfence  }
0xc1: {  	s30 =	sld [smem:$0x0];
	_ =	sdelay $0x2  }
0xc2: {  	s31 =	sshll.u32 s1, $0xD;
	s1 =	sshrl.u32 s1, $0x2  }
0xc3: {  	s3 =	sand.u32 $0x4000, s31;
	s1 =	sadd.s32 s1, s30  }
0xc4: {  	s0 =	sor.u32 s3, s0;
	s1 =	sshll.u32 s1, $0x11  }
0xc5: {  	s0 =	sor.u32 s1, s0  }
0xc6: {  	s0 =	sadd.s32 $0x8F2B, s0  }
0xc7: {  	[sflag:s0] =	ssyncadd.remote.s32 $0x1  }
0xc8: {  	_ =	sfence.sel $0xFFFF  }
0xc9: {  	[dreg:$0x0] =	wrdreg $0xFFFFFFFF;
	(pc) =	sbr.abs _section_cstart, $3  }
0xca: {  	[dreg:$0x1] =	wrdreg $0xFFFFFFFF  }
0xcb: {  	_ =	task.clear_ibuf [dreg:s10], $0x2FFFF;
	_ =	strace $0x9FFFFFFF  }
0xcc: {  	(tm) =	ssettm $0x7FFFFFFF  }
0xcd: {  	_ =	shalt  }
tec
execute0_lowered:
.L_overlay_start_1:
0x0: {  	(tag) =	ssettag $0x1  }
0x1: {  	s0 =	rddreg [dreg:$0x0]  }
0x2: {  	s1 =	rddreg [dreg:$0x1]  }
0x3: {  	s20 =	rddreg [dreg:$0x2]  }
0x4: {  	s5 =	rddreg [dreg:$0x3]  }
0x5: {  	s2 =	rddreg [dreg:$0x4];
	s4 =	srdreg.scid  }
0x6: {  	s12 =	stileid.u32;
	s3 =	simm.s32 $0x0;
	[dreg:$0x6] =	wrdreg s1  }
0x7: {  	s17 =	simm.s32 $0x1C680;
	[smem:$0x7FF] =	sst s3;
	s9 =	sadd.s32 $0x2800, s20  }
0x8: {  	s1 =	sadd.s32 $0x3000, s20;
	_ =	strace $0x80000047;
	[dreg:$0x7] =	wrdreg s9  }
0x9: {  	s18 =	simm.s32 $0x18480;
	s19 =	simm.s32 $0x18580;
	[smem:$0x7FD] =	sst s1  }
0xa: {  	s6 =	sand.u32 $0x1, s4;
	s21 =	sshll.u32 s12, $0x1;
	[dreg:$0x14] =	wrdreg s17  }
0xb: {  	s31 =	simm.s32 $0x8400;
	s7 =	sor.u32 s6, s21;
	[dreg:$0x15] =	wrdreg s18  }
0xc: {  	[dreg:$0x16] =	wrdreg s19;
	s21 =	simm.s32 $0x19600;
	s4 =	sshll.u32 s7, $0x5  }
0xd: {  	s8 =	sshll.u32 s7, $0x7;
	s10 =	sshll.u32 s7, $0x1;
	[dreg:$0x18] =	wrdreg s21  }
0xe: {  	s4 =	sadd.s32 s4, s20;
	s8 =	sadd.s32 s8, s20;
	s25 =	sadd.s32 s5, s10  }
0xf: {  	s11 =	sadd.s32 s10, s20;
	s20 =	simm.s32 $0x18E00;
	[dreg:$0xb] =	wrdreg s25  }
0x10: {  	s30 =	simm.s32 $0x2;
	s22 =	sadd.s32 $0xE00, s4;
	[dreg:$0x17] =	wrdreg s20  }
0x11: {  	s28 =	simm.s32 $0x17C00;
	s23 =	sadd.s32 $0x2400, s4;
	[dreg:$0x8] =	wrdreg s22  }
0x12: {  	s17 =	simm.s32 $0x1;
	s24 =	sadd.s32 $0x1200, s11;
	[dreg:$0x9] =	wrdreg s23  }
0x13: {  	s26 =	sshll.u32 s7, $0xF;
	s29 =	sadd.s32 $0x1400, s8;
	[dreg:$0xa] =	wrdreg s24  }
0x14: {  	s1 =	simm.s32 $0x5;
	s4 =	sadd.s32 s0, s26;
	[dreg:$0xc] =	wrdreg s29  }
0x15: {  	s18 =	simm.s32 $0x13400;
	s25 =	simm.s32 $0x1B600;
	[dreg:$0x1f] =	wrdreg s4  }
0x16: {  	s19 =	simm.s32 $0x13C00;
	s26 =	simm.s32 $0x1BE00;
	[dreg:$0x1c] =	wrdreg s25  }
0x17: {  	s5 =	ssub.s32 $0x2, s6;
	s6 =	sadd.s32 $0x1000, s4;
	[dreg:$0x1d] =	wrdreg s26  }
0x18: {  	s21 =	simm.s32 $0x14C00;
	s8 =	sadd.s32 $0x2000, s4;
	[dreg:$0xd] =	wrdreg s6  }
0x19: {  	s7 =	sshrl.u32 s5, $0x1;
	s10 =	sadd.s32 $0x3000, s4;
	[dreg:$0xe] =	wrdreg s8  }
0x1a: {  	s11 =	sshll.u32 s12, $0x9;
	s12 =	sadd.s32 $0x4000, s4;
	[dreg:$0xf] =	wrdreg s10  }
0x1b: {  	s20 =	simm.s32 $0x14400;
	s13 =	sadd.s32 $0x5000, s4;
	[dreg:$0x10] =	wrdreg s12  }
0x1c: {  	s5 =	ssub.s32 s5, s7;
	s14 =	sadd.s32 $0x6000, s4;
	[dreg:$0x11] =	wrdreg s13  }
0x1d: {  	s7 =	sadd.s32 $0x200, s2;
	s15 =	sadd.s32 $0x7000, s4;
	[dreg:$0x12] =	wrdreg s14  }
0x1e: {  	s16 =	sand.u32 $0x1800, s11;
	s22 =	simm.s32 $0x19E00;
	[dreg:$0x13] =	wrdreg s15  }
0x1f: {  	s23 =	simm.s32 $0x1A600;
	s24 =	simm.s32 $0x1AE00;
	[dreg:$0x19] =	wrdreg s22  }
0x20: {  	s29 =	simm.s32 $0x10;
	s25 =	simm.s32 $0x16C00;
	[dreg:$0x1a] =	wrdreg s23  }
0x21: {  	s26 =	simm.s32 $0x17400;
	s6 =	sadd.s32 $0x100, s2;
	[dreg:$0x1b] =	wrdreg s24  }
0x22: {  	v3 =	vlaneseq.u32;
	s8 =	sadd.s32 $0x300, s2;
	s9 =	smax.u32 s5, $0x1;
	[dreg:$0x1e] =	wrdreg s29  }
0x23: {  	vm0 =	vmmov $0xffff;
	v2 =	vshrl.u32 v3, $0x3;
	v0 =	vmov s16;
	s12 =	simm.s32 $0x7;
	s16 =	simm.s32 $0x400;
	s15 =	simm.s32 $0x10400  }
0x24: {  	v1 =	vand.u32 $0x7, v3;
	v3 =	vor.u32 $0x8, v3;
	v2 =	vmul.u32 $0x8, v2;
	s22 =	simm.s32 $0x15400;
	s23 =	simm.s32 $0x15C00;
	s24 =	simm.s32 $0x16400  }
.LBB2_1:
0x25: {  	s13 =	rddreg [dreg:$0x8]  }
0x26: {  	s5 =	rddreg [dreg:$0x9];
	s0 =	simm.s32 $0x18400  }
0x27: {  	[tilespmem:s0], [sflag:$0x7] =	stream.linear.gather [hbm4b:s13+s3], $0x100, $0x38;
	[tilespmem:$0x1C780] =	vst v63  }
0x28: {  	s11 =	rddreg [dreg:$0xa];
	s14 =	simm.s32 $0x18500  }
0x29: {  	[tilespmem:s14], [sflag:$0x7] =	stream.linear.gather [hbm4b:s5+s3], $0x100, $0x38;
	[tilespmem:$0x1C780] =	vst v63  }
0x2a: {  	s29 =	simm.s32 $0x1C600;
	s4 =	rddreg [dreg:$0x7]  }
0x2b: {  	[tilespmem:s29], [sflag:$0x7] =	stream.linear.gather [hbm4b:s11+s3], $0x10, $0x38;
	[tilespmem:$0x1C780] =	vst v63  }
0x2c: {  	s10 =	rddreg [dreg:$0xb];
	s11 =	simm.s32 $0x18600  }
0x2d: {  	[tilespmem:s11], [sflag:$0x7] =	stream.linear.gather [hbm4b:s4+s3], $0x4000, $0x38;
	[tilespmem:$0x1C780] =	vst v63  }
0x2e: {  	s14 =	rddreg [dreg:$0x14]  }
0x2f: {  	[tilespmem:s14], [sflag:$0x7] =	stream.linear.gather [hbm4b:s10+s3], $0x10, $0x38;
	[tilespmem:$0x1C780] =	vst v63  }
0x30: {  	s0 =	simm.s32 $0x8;
	s29 =	rddreg [dreg:$0xc]  }
0x31: {  	[tilespmem:s3], [sflag:$0x8] =	stream.linear.gather [hbm4b:s29+s3], $0x400, $0x38;
	[tilespmem:$0x1C780] =	vst v63  }
0x32: {  	_ =	swait.ge [sflag:s0], $0x400  }
0x33: {  	[sflag:s0] =	ssyncset.done $0x0  }
0x34: {  	s10 =	rddreg [dreg:$0x1f];
	[sflag:s0] =	ssyncadd.s32 $0xFFFFFC00  }
0x35: {  	[tilespmem:s16], [sflag:$0x1] =	stream.linear.gather [hbm4b:s10+s3], $0x8000, $0x38;
	[tilespmem:$0x1C780] =	vst v63  }
0x36: {  	s4 =	rddreg [dreg:$0xd]  }
0x37: {  	[tilespmem:s31], [sflag:$0x2] =	stream.linear.gather [hbm4b:s4+s3], $0x8000, $0x38;
	[tilespmem:$0x1C780] =	vst v63  }
0x38: {  	_ =	swait.ge [sflag:s17], $0x8000  }
0x39: {  	[sflag:s17] =	ssyncset.done $0x0  }
0x3a: {  	[sflag:s17] =	ssyncadd.s32 $0xFFFF8000  }
0x3b: {  	v4 =	vld [tilespmem:$0x0];
	_ =	sdelay $0x4  }
0x3c: {  	v5 =	vshll.u32 v4, $0x3  }
0x3d: {  	v4 =	vand.u32 $0x7, v4;
	v5 =	vand.u32 $0xFFFFFFC0, v5  }
0x3e: {  	v4 =	vor.u32 v4, v5  }
0x3f: {  	v5 =	vperm.xlane v4, v1;
	_ =	sdelay $0x1  }
0x40: {  	v5 =	vadd.s32 v2, v5;
	_ =	sdelay $0x4  }
0x41: {  	[hbm4b:s2+s3] =	stream.indirect_vreg.scatter [tilespmem:s16], [sflag:$0x4], $0x80, v5, vm0, $0xb8;
	[tilespmem:$0x1C780] =	vst v63  }
0x42: {  	s11 =	simm.s32 $0xC00;
	v4 =	vperm.xlane v4, v3  }
0x43: {  	[hbm4b:s6+s3] =	stream.indirect_vreg.scatter [tilespmem:s11], [sflag:$0x4], $0x80, v5, vm0, $0xb8;
	[tilespmem:$0x1C780] =	vst v63  }
0x44: {  	s13 =	simm.s32 $0x1400;
	v4 =	vadd.s32 v2, v4  }
0x45: {  	[hbm4b:s7+s3] =	stream.indirect_vreg.scatter [tilespmem:s13], [sflag:$0x4], $0x80, v5, vm0, $0xb8;
	[tilespmem:$0x1C780] =	vst v63  }
0x46: {  	s14 =	simm.s32 $0x1C00  }
0x47: {  	[hbm4b:s8+s3] =	stream.indirect_vreg.scatter [tilespmem:s14], [sflag:$0x4], $0x80, v5, vm0, $0xb8;
	[tilespmem:$0x1C780] =	vst v63  }
0x48: {  	s29 =	simm.s32 $0x2400  }
0x49: {  	[hbm4b:s2+s3] =	stream.indirect_vreg.scatter [tilespmem:s29], [sflag:$0x4], $0x80, v4, vm0, $0xb8;
	[tilespmem:$0x1C780] =	vst v63  }
0x4a: {  	s4 =	simm.s32 $0x2C00  }
0x4b: {  	[hbm4b:s6+s3] =	stream.indirect_vreg.scatter [tilespmem:s4], [sflag:$0x4], $0x80, v4, vm0, $0xb8;
	[tilespmem:$0x1C780] =	vst v63  }
0x4c: {  	s5 =	simm.s32 $0x3400  }
0x4d: {  	[hbm4b:s7+s3] =	stream.indirect_vreg.scatter [tilespmem:s5], [sflag:$0x4], $0x80, v4, vm0, $0xb8;
	[tilespmem:$0x1C780] =	vst v63  }
0x4e: {  	s10 =	simm.s32 $0x3C00  }
0x4f: {  	[hbm4b:s8+s3] =	stream.indirect_vreg.scatter [tilespmem:s10], [sflag:$0x4], $0x80, v4, vm0, $0xb8;
	[tilespmem:$0x1C780] =	vst v63  }
0x50: {  	v4 =	vld [tilespmem:$0x10];
	_ =	sdelay $0x4  }
0x51: {  	v5 =	vshll.u32 v4, $0x3  }
0x52: {  	v4 =	vand.u32 $0x7, v4;
	v5 =	vand.u32 $0xFFFFFFC0, v5  }
0x53: {  	v4 =	vor.u32 v4, v5  }
0x54: {  	v5 =	vperm.xlane v4, v1;
	_ =	sdelay $0x1  }
0x55: {  	v5 =	vadd.s32 v2, v5;
	_ =	sdelay $0x3  }
0x56: {  	s11 =	simm.s32 $0x4400  }
0x57: {  	[hbm4b:s2+s3] =	stream.indirect_vreg.scatter [tilespmem:s11], [sflag:$0x4], $0x80, v5, vm0, $0xb8;
	[tilespmem:$0x1C780] =	vst v63  }
0x58: {  	s13 =	simm.s32 $0x4C00;
	v4 =	vperm.xlane v4, v3  }
0x59: {  	[hbm4b:s6+s3] =	stream.indirect_vreg.scatter [tilespmem:s13], [sflag:$0x4], $0x80, v5, vm0, $0xb8;
	[tilespmem:$0x1C780] =	vst v63  }
0x5a: {  	s14 =	simm.s32 $0x5400;
	v4 =	vadd.s32 v2, v4  }
0x5b: {  	[hbm4b:s7+s3] =	stream.indirect_vreg.scatter [tilespmem:s14], [sflag:$0x4], $0x80, v5, vm0, $0xb8;
	[tilespmem:$0x1C780] =	vst v63  }
0x5c: {  	s29 =	simm.s32 $0x5C00  }
0x5d: {  	[hbm4b:s8+s3] =	stream.indirect_vreg.scatter [tilespmem:s29], [sflag:$0x4], $0x80, v5, vm0, $0xb8;
	[tilespmem:$0x1C780] =	vst v63  }
0x5e: {  	s4 =	simm.s32 $0x6400  }
0x5f: {  	[hbm4b:s2+s3] =	stream.indirect_vreg.scatter [tilespmem:s4], [sflag:$0x4], $0x80, v4, vm0, $0xb8;
	[tilespmem:$0x1C780] =	vst v63  }
0x60: {  	s5 =	simm.s32 $0x6C00  }
0x61: {  	[hbm4b:s6+s3] =	stream.indirect_vreg.scatter [tilespmem:s5], [sflag:$0x4], $0x80, v4, vm0, $0xb8;
	[tilespmem:$0x1C780] =	vst v63  }
0x62: {  	s10 =	simm.s32 $0x7400  }
0x63: {  	[hbm4b:s7+s3] =	stream.indirect_vreg.scatter [tilespmem:s10], [sflag:$0x4], $0x80, v4, vm0, $0xb8;
	[tilespmem:$0x1C780] =	vst v63  }
0x64: {  	s13 =	simm.s32 $0x7C00  }
0x65: {  	[hbm4b:s8+s3] =	stream.indirect_vreg.scatter [tilespmem:s13], [sflag:$0x4], $0x80, v4, vm0, $0xb8;
	[tilespmem:$0x1C780] =	vst v63  }
0x66: {  	s11 =	rddreg [dreg:$0xe]  }
0x67: {  	[tilespmem:s15], [sflag:$0x3] =	stream.linear.gather [hbm4b:s11+s3], $0x8000, $0x38;
	[tilespmem:$0x1C780] =	vst v63  }
0x68: {  	_ =	swait.ge [sflag:s30], $0x8000  }
0x69: {  	[sflag:s30] =	ssyncset.done $0x0  }
0x6a: {  	[sflag:s30] =	ssyncadd.s32 $0xFFFF8000  }
0x6b: {  	v4 =	vld [tilespmem:$0x80];
	_ =	sdelay $0x4  }
0x6c: {  	v5 =	vshll.u32 v4, $0x3  }
0x6d: {  	v4 =	vand.u32 $0x7, v4;
	v5 =	vand.u32 $0xFFFFFFC0, v5  }
0x6e: {  	v4 =	vor.u32 v4, v5  }
0x6f: {  	v5 =	vperm.xlane v4, v1;
	_ =	sdelay $0x1  }
0x70: {  	v5 =	vadd.s32 v2, v5;
	_ =	sdelay $0x4  }
0x71: {  	[hbm4b:s2+s3] =	stream.indirect_vreg.scatter [tilespmem:s31], [sflag:$0x5], $0x80, v5, vm0, $0xb8;
	[tilespmem:$0x1C780] =	vst v63  }
0x72: {  	s14 =	simm.s32 $0x8C00;
	v4 =	vperm.xlane v4, v3  }
0x73: {  	[hbm4b:s6+s3] =	stream.indirect_vreg.scatter [tilespmem:s14], [sflag:$0x5], $0x80, v5, vm0, $0xb8;
	[tilespmem:$0x1C780] =	vst v63  }
0x74: {  	s4 =	simm.s32 $0x9400;
	v4 =	vadd.s32 v2, v4  }
0x75: {  	[hbm4b:s7+s3] =	stream.indirect_vreg.scatter [tilespmem:s4], [sflag:$0x5], $0x80, v5, vm0, $0xb8;
	[tilespmem:$0x1C780] =	vst v63  }
0x76: {  	s5 =	simm.s32 $0x9C00  }
0x77: {  	[hbm4b:s8+s3] =	stream.indirect_vreg.scatter [tilespmem:s5], [sflag:$0x5], $0x80, v5, vm0, $0xb8;
	[tilespmem:$0x1C780] =	vst v63  }
0x78: {  	s10 =	simm.s32 $0xA400  }
0x79: {  	[hbm4b:s2+s3] =	stream.indirect_vreg.scatter [tilespmem:s10], [sflag:$0x5], $0x80, v4, vm0, $0xb8;
	[tilespmem:$0x1C780] =	vst v63  }
0x7a: {  	s11 =	simm.s32 $0xAC00  }
0x7b: {  	[hbm4b:s6+s3] =	stream.indirect_vreg.scatter [tilespmem:s11], [sflag:$0x5], $0x80, v4, vm0, $0xb8;
	[tilespmem:$0x1C780] =	vst v63  }
0x7c: {  	s13 =	simm.s32 $0xB400  }
0x7d: {  	[hbm4b:s7+s3] =	stream.indirect_vreg.scatter [tilespmem:s13], [sflag:$0x5], $0x80, v4, vm0, $0xb8;
	[tilespmem:$0x1C780] =	vst v63  }
0x7e: {  	s14 =	simm.s32 $0xBC00  }
0x7f: {  	[hbm4b:s8+s3] =	stream.indirect_vreg.scatter [tilespmem:s14], [sflag:$0x5], $0x80, v4, vm0, $0xb8;
	[tilespmem:$0x1C780] =	vst v63  }
0x80: {  	v4 =	vld [tilespmem:$0x90];
	_ =	sdelay $0x4  }
0x81: {  	v5 =	vshll.u32 v4, $0x3  }
0x82: {  	v4 =	vand.u32 $0x7, v4;
	v5 =	vand.u32 $0xFFFFFFC0, v5  }
0x83: {  	v4 =	vor.u32 v4, v5  }
0x84: {  	v5 =	vperm.xlane v4, v1;
	_ =	sdelay $0x1  }
0x85: {  	v5 =	vadd.s32 v2, v5;
	_ =	sdelay $0x3  }
0x86: {  	s4 =	simm.s32 $0xC400  }
0x87: {  	[hbm4b:s2+s3] =	stream.indirect_vreg.scatter [tilespmem:s4], [sflag:$0x5], $0x80, v5, vm0, $0xb8;
	[tilespmem:$0x1C780] =	vst v63  }
0x88: {  	s5 =	simm.s32 $0xCC00;
	v4 =	vperm.xlane v4, v3  }
0x89: {  	[hbm4b:s6+s3] =	stream.indirect_vreg.scatter [tilespmem:s5], [sflag:$0x5], $0x80, v5, vm0, $0xb8;
	[tilespmem:$0x1C780] =	vst v63  }
0x8a: {  	s10 =	simm.s32 $0xD400;
	v4 =	vadd.s32 v2, v4  }
0x8b: {  	[hbm4b:s7+s3] =	stream.indirect_vreg.scatter [tilespmem:s10], [sflag:$0x5], $0x80, v5, vm0, $0xb8;
	[tilespmem:$0x1C780] =	vst v63  }
0x8c: {  	s11 =	simm.s32 $0xDC00  }
0x8d: {  	[hbm4b:s8+s3] =	stream.indirect_vreg.scatter [tilespmem:s11], [sflag:$0x5], $0x80, v5, vm0, $0xb8;
	[tilespmem:$0x1C780] =	vst v63  }
0x8e: {  	s13 =	simm.s32 $0xE400  }
0x8f: {  	[hbm4b:s2+s3] =	stream.indirect_vreg.scatter [tilespmem:s13], [sflag:$0x5], $0x80, v4, vm0, $0xb8;
	[tilespmem:$0x1C780] =	vst v63  }
0x90: {  	s14 =	simm.s32 $0xEC00  }
0x91: {  	[hbm4b:s6+s3] =	stream.indirect_vreg.scatter [tilespmem:s14], [sflag:$0x5], $0x80, v4, vm0, $0xb8;
	[tilespmem:$0x1C780] =	vst v63  }
0x92: {  	s4 =	simm.s32 $0xF400  }
0x93: {  	[hbm4b:s7+s3] =	stream.indirect_vreg.scatter [tilespmem:s4], [sflag:$0x5], $0x80, v4, vm0, $0xb8;
	[tilespmem:$0x1C780] =	vst v63  }
0x94: {  	s0 =	simm.s32 $0x4;
	s5 =	simm.s32 $0xFC00  }
0x95: {  	[hbm4b:s8+s3] =	stream.indirect_vreg.scatter [tilespmem:s5], [sflag:$0x5], $0x80, v4, vm0, $0xb8;
	[tilespmem:$0x1C780] =	vst v63  }
0x96: {  	_ =	swait.ge [sflag:s0], $0x8000  }
0x97: {  	[sflag:s0] =	ssyncset.done $0x0  }
0x98: {  	s11 =	simm.s32 $0x3;
	s10 =	rddreg [dreg:$0xf];
	[sflag:s0] =	ssyncadd.s32 $0xFFFF8000  }
0x99: {  	[tilespmem:s16], [sflag:$0x1] =	stream.linear.gather [hbm4b:s10+s3], $0x8000, $0x38;
	[tilespmem:$0x1C780] =	vst v63  }
0x9a: {  	_ =	swait.ge [sflag:s11], $0x8000  }
0x9b: {  	[sflag:s11] =	ssyncset.done $0x0  }
0x9c: {  	[sflag:s11] =	ssyncadd.s32 $0xFFFF8000  }
0x9d: {  	v4 =	vld [tilespmem:$0x100];
	_ =	sdelay $0x4  }
0x9e: {  	v5 =	vshll.u32 v4, $0x3  }
0x9f: {  	v4 =	vand.u32 $0x7, v4;
	v5 =	vand.u32 $0xFFFFFFC0, v5  }
0xa0: {  	v4 =	vor.u32 v4, v5  }
0xa1: {  	v5 =	vperm.xlane v4, v1;
	_ =	sdelay $0x1  }
0xa2: {  	v5 =	vadd.s32 v2, v5;
	_ =	sdelay $0x4  }
0xa3: {  	[hbm4b:s2+s3] =	stream.indirect_vreg.scatter [tilespmem:s15], [sflag:$0x6], $0x80, v5, vm0, $0xb8;
	[tilespmem:$0x1C780] =	vst v63  }
0xa4: {  	s4 =	simm.s32 $0x10C00;
	v4 =	vperm.xlane v4, v3  }
0xa5: {  	[hbm4b:s6+s3] =	stream.indirect_vreg.scatter [tilespmem:s4], [sflag:$0x6], $0x80, v5, vm0, $0xb8;
	[tilespmem:$0x1C780] =	vst v63  }
0xa6: {  	v4 =	vadd.s32 v2, v4;
	s4 =	simm.s32 $0x11400  }
0xa7: {  	[hbm4b:s7+s3] =	stream.indirect_vreg.scatter [tilespmem:s4], [sflag:$0x6], $0x80, v5, vm0, $0xb8;
	[tilespmem:$0x1C780] =	vst v63  }
0xa8: {  	s10 =	simm.s32 $0x11C00  }
0xa9: {  	[hbm4b:s8+s3] =	stream.indirect_vreg.scatter [tilespmem:s10], [sflag:$0x6], $0x80, v5, vm0, $0xb8;
	[tilespmem:$0x1C780] =	vst v63  }
0xaa: {  	s13 =	simm.s32 $0x12400  }
0xab: {  	[hbm4b:s2+s3] =	stream.indirect_vreg.scatter [tilespmem:s13], [sflag:$0x6], $0x80, v4, vm0, $0xb8;
	[tilespmem:$0x1C780] =	vst v63  }
0xac: {  	s14 =	simm.s32 $0x12C00  }
0xad: {  	[hbm4b:s6+s3] =	stream.indirect_vreg.scatter [tilespmem:s14], [sflag:$0x6], $0x80, v4, vm0, $0xb8;
	[tilespmem:$0x1C780] =	vst v63  }
0xae: {  	_ = 	snop  }
0xaf: {  	[hbm4b:s7+s3] =	stream.indirect_vreg.scatter [tilespmem:s18], [sflag:$0x6], $0x80, v4, vm0, $0xb8;
	[tilespmem:$0x1C780] =	vst v63  }
0xb0: {  	_ = 	snop  }
0xb1: {  	[hbm4b:s8+s3] =	stream.indirect_vreg.scatter [tilespmem:s19], [sflag:$0x6], $0x80, v4, vm0, $0xb8;
	[tilespmem:$0x1C780] =	vst v63  }
0xb2: {  	v4 =	vld [tilespmem:$0x110];
	_ =	sdelay $0x4  }
0xb3: {  	v5 =	vshll.u32 v4, $0x3  }
0xb4: {  	v4 =	vand.u32 $0x7, v4;
	v5 =	vand.u32 $0xFFFFFFC0, v5  }
0xb5: {  	v4 =	vor.u32 v4, v5  }
0xb6: {  	v5 =	vperm.xlane v4, v1;
	_ =	sdelay $0x1  }
0xb7: {  	v5 =	vadd.s32 v2, v5;
	_ =	sdelay $0x4  }
0xb8: {  	[hbm4b:s2+s3] =	stream.indirect_vreg.scatter [tilespmem:s20], [sflag:$0x6], $0x80, v5, vm0, $0xb8;
	[tilespmem:$0x1C780] =	vst v63  }
0xb9: {  	v4 =	vperm.xlane v4, v3  }
0xba: {  	[hbm4b:s6+s3] =	stream.indirect_vreg.scatter [tilespmem:s21], [sflag:$0x6], $0x80, v5, vm0, $0xb8;
	[tilespmem:$0x1C780] =	vst v63  }
0xbb: {  	v4 =	vadd.s32 v2, v4  }
0xbc: {  	[hbm4b:s7+s3] =	stream.indirect_vreg.scatter [tilespmem:s22], [sflag:$0x6], $0x80, v5, vm0, $0xb8;
	[tilespmem:$0x1C780] =	vst v63  }
0xbd: {  	_ = 	snop  }
0xbe: {  	[hbm4b:s8+s3] =	stream.indirect_vreg.scatter [tilespmem:s23], [sflag:$0x6], $0x80, v5, vm0, $0xb8;
	[tilespmem:$0x1C780] =	vst v63  }
0xbf: {  	_ = 	snop  }
0xc0: {  	[hbm4b:s2+s3] =	stream.indirect_vreg.scatter [tilespmem:s24], [sflag:$0x6], $0x80, v4, vm0, $0xb8;
	[tilespmem:$0x1C780] =	vst v63  }
0xc1: {  	_ = 	snop  }
0xc2: {  	[hbm4b:s6+s3] =	stream.indirect_vreg.scatter [tilespmem:s25], [sflag:$0x6], $0x80, v4, vm0, $0xb8;
	[tilespmem:$0x1C780] =	vst v63  }
0xc3: {  	_ = 	snop  }
0xc4: {  	[hbm4b:s7+s3] =	stream.indirect_vreg.scatter [tilespmem:s26], [sflag:$0x6], $0x80, v4, vm0, $0xb8;
	[tilespmem:$0x1C780] =	vst v63  }
0xc5: {  	_ = 	snop  }
0xc6: {  	[hbm4b:s8+s3] =	stream.indirect_vreg.scatter [tilespmem:s28], [sflag:$0x6], $0x80, v4, vm0, $0xb8;
	[tilespmem:$0x1C780] =	vst v63  }
0xc7: {  	_ =	swait.ge [sflag:s1], $0x8000  }
0xc8: {  	[sflag:s1] =	ssyncset.done $0x0  }
0xc9: {  	s5 =	rddreg [dreg:$0x10];
	[sflag:s1] =	ssyncadd.s32 $0xFFFF8000  }
0xca: {  	[tilespmem:s31], [sflag:$0x2] =	stream.linear.gather [hbm4b:s5+s3], $0x8000, $0x38;
	[tilespmem:$0x1C780] =	vst v63  }
0xcb: {  	_ =	swait.ge [sflag:s17], $0x8000  }
0xcc: {  	[sflag:s17] =	ssyncset.done $0x0  }
0xcd: {  	[sflag:s17] =	ssyncadd.s32 $0xFFFF8000  }
0xce: {  	v4 =	vld [tilespmem:$0x180];
	_ =	sdelay $0x4  }
0xcf: {  	v5 =	vshll.u32 v4, $0x3  }
0xd0: {  	v4 =	vand.u32 $0x7, v4;
	v5 =	vand.u32 $0xFFFFFFC0, v5  }
0xd1: {  	v4 =	vor.u32 v4, v5  }
0xd2: {  	v5 =	vperm.xlane v4, v1;
	_ =	sdelay $0x1  }
0xd3: {  	v5 =	vadd.s32 v2, v5;
	_ =	sdelay $0x4  }
0xd4: {  	[hbm4b:s2+s3] =	stream.indirect_vreg.scatter [tilespmem:s16], [sflag:$0x4], $0x80, v5, vm0, $0xb8;
	[tilespmem:$0x1C780] =	vst v63  }
0xd5: {  	s5 =	simm.s32 $0xC00;
	v4 =	vperm.xlane v4, v3  }
0xd6: {  	[hbm4b:s6+s3] =	stream.indirect_vreg.scatter [tilespmem:s5], [sflag:$0x4], $0x80, v5, vm0, $0xb8;
	[tilespmem:$0x1C780] =	vst v63  }
0xd7: {  	v4 =	vadd.s32 v2, v4;
	s5 =	simm.s32 $0x1400  }
0xd8: {  	[hbm4b:s7+s3] =	stream.indirect_vreg.scatter [tilespmem:s5], [sflag:$0x4], $0x80, v5, vm0, $0xb8;
	[tilespmem:$0x1C780] =	vst v63  }
0xd9: {  	s5 =	simm.s32 $0x1C00  }
0xda: {  	[hbm4b:s8+s3] =	stream.indirect_vreg.scatter [tilespmem:s5], [sflag:$0x4], $0x80, v5, vm0, $0xb8;
	[tilespmem:$0x1C780] =	vst v63  }
0xdb: {  	s5 =	simm.s32 $0x2400  }
0xdc: {  	[hbm4b:s2+s3] =	stream.indirect_vreg.scatter [tilespmem:s5], [sflag:$0x4], $0x80, v4, vm0, $0xb8;
	[tilespmem:$0x1C780] =	vst v63  }
0xdd: {  	s5 =	simm.s32 $0x2C00  }
0xde: {  	[hbm4b:s6+s3] =	stream.indirect_vreg.scatter [tilespmem:s5], [sflag:$0x4], $0x80, v4, vm0, $0xb8;
	[tilespmem:$0x1C780] =	vst v63  }
0xdf: {  	s5 =	simm.s32 $0x3400  }
0xe0: {  	[hbm4b:s7+s3] =	stream.indirect_vreg.scatter [tilespmem:s5], [sflag:$0x4], $0x80, v4, vm0, $0xb8;
	[tilespmem:$0x1C780] =	vst v63  }
0xe1: {  	s5 =	simm.s32 $0x3C00  }
0xe2: {  	[hbm4b:s8+s3] =	stream.indirect_vreg.scatter [tilespmem:s5], [sflag:$0x4], $0x80, v4, vm0, $0xb8;
	[tilespmem:$0x1C780] =	vst v63  }
0xe3: {  	v4 =	vld [tilespmem:$0x190];
	_ =	sdelay $0x4  }
0xe4: {  	v5 =	vshll.u32 v4, $0x3  }
0xe5: {  	v4 =	vand.u32 $0x7, v4;
	v5 =	vand.u32 $0xFFFFFFC0, v5  }
0xe6: {  	v4 =	vor.u32 v4, v5  }
0xe7: {  	v5 =	vperm.xlane v4, v1;
	_ =	sdelay $0x1  }
0xe8: {  	v5 =	vadd.s32 v2, v5;
	_ =	sdelay $0x3  }
0xe9: {  	s5 =	simm.s32 $0x4400  }
0xea: {  	[hbm4b:s2+s3] =	stream.indirect_vreg.scatter [tilespmem:s5], [sflag:$0x4], $0x80, v5, vm0, $0xb8;
	[tilespmem:$0x1C780] =	vst v63  }
0xeb: {  	v4 =	vperm.xlane v4, v3;
	s5 =	simm.s32 $0x4C00  }
0xec: {  	[hbm4b:s6+s3] =	stream.indirect_vreg.scatter [tilespmem:s5], [sflag:$0x4], $0x80, v5, vm0, $0xb8;
	[tilespmem:$0x1C780] =	vst v63  }
0xed: {  	v4 =	vadd.s32 v2, v4;
	s5 =	simm.s32 $0x5400  }
0xee: {  	[hbm4b:s7+s3] =	stream.indirect_vreg.scatter [tilespmem:s5], [sflag:$0x4], $0x80, v5, vm0, $0xb8;
	[tilespmem:$0x1C780] =	vst v63  }
0xef: {  	s5 =	simm.s32 $0x5C00  }
0xf0: {  	[hbm4b:s8+s3] =	stream.indirect_vreg.scatter [tilespmem:s5], [sflag:$0x4], $0x80, v5, vm0, $0xb8;
	[tilespmem:$0x1C780] =	vst v63  }
0xf1: {  	s5 =	simm.s32 $0x6400  }
0xf2: {  	[hbm4b:s2+s3] =	stream.indirect_vreg.scatter [tilespmem:s5], [sflag:$0x4], $0x80, v4, vm0, $0xb8;
	[tilespmem:$0x1C780] =	vst v63  }
0xf3: {  	s5 =	simm.s32 $0x6C00  }
0xf4: {  	[hbm4b:s6+s3] =	stream.indirect_vreg.scatter [tilespmem:s5], [sflag:$0x4], $0x80, v4, vm0, $0xb8;
	[tilespmem:$0x1C780] =	vst v63  }
0xf5: {  	s5 =	simm.s32 $0x7400  }
0xf6: {  	[hbm4b:s7+s3] =	stream.indirect_vreg.scatter [tilespmem:s5], [sflag:$0x4], $0x80, v4, vm0, $0xb8;
	[tilespmem:$0x1C780] =	vst v63  }
0xf7: {  	s29 =	simm.s32 $0x7C00  }
0xf8: {  	[hbm4b:s8+s3] =	stream.indirect_vreg.scatter [tilespmem:s29], [sflag:$0x4], $0x80, v4, vm0, $0xb8;
	[tilespmem:$0x1C780] =	vst v63  }
0xf9: {  	s29 =	simm.s32 $0x6  }
0xfa: {  	_ =	swait.ge [sflag:s29], $0x8000  }
0xfb: {  	[sflag:s29] =	ssyncset.done $0x0  }
0xfc: {  	s5 =	rddreg [dreg:$0x11];
	[sflag:s29] =	ssyncadd.s32 $0xFFFF8000  }
0xfd: {  	[tilespmem:s15], [sflag:$0x3] =	stream.linear.gather [hbm4b:s5+s3], $0x8000, $0x38;
	[tilespmem:$0x1C780] =	vst v63  }
0xfe: {  	_ =	swait.ge [sflag:s30], $0x8000  }
0xff: {  	[sflag:s30] =	ssyncset.done $0x0  }
0x100: {  	[sflag:s30] =	ssyncadd.s32 $0xFFFF8000  }
0x101: {  	v4 =	vld [tilespmem:$0x200];
	_ =	sdelay $0x4  }
0x102: {  	v5 =	vshll.u32 v4, $0x3  }
0x103: {  	v4 =	vand.u32 $0x7, v4;
	v5 =	vand.u32 $0xFFFFFFC0, v5  }
0x104: {  	v4 =	vor.u32 v4, v5  }
0x105: {  	v5 =	vperm.xlane v4, v1;
	_ =	sdelay $0x1  }
0x106: {  	v5 =	vadd.s32 v2, v5;
	_ =	sdelay $0x4  }
0x107: {  	[hbm4b:s2+s3] =	stream.indirect_vreg.scatter [tilespmem:s31], [sflag:$0x5], $0x80, v5, vm0, $0xb8;
	[tilespmem:$0x1C780] =	vst v63  }
0x108: {  	s5 =	simm.s32 $0x8C00;
	v4 =	vperm.xlane v4, v3  }
0x109: {  	[hbm4b:s6+s3] =	stream.indirect_vreg.scatter [tilespmem:s5], [sflag:$0x5], $0x80, v5, vm0, $0xb8;
	[tilespmem:$0x1C780] =	vst v63  }
0x10a: {  	v4 =	vadd.s32 v2, v4;
	s5 =	simm.s32 $0x9400  }
0x10b: {  	[hbm4b:s7+s3] =	stream.indirect_vreg.scatter [tilespmem:s5], [sflag:$0x5], $0x80, v5, vm0, $0xb8;
	[tilespmem:$0x1C780] =	vst v63  }
0x10c: {  	s5 =	simm.s32 $0x9C00  }
0x10d: {  	[hbm4b:s8+s3] =	stream.indirect_vreg.scatter [tilespmem:s5], [sflag:$0x5], $0x80, v5, vm0, $0xb8;
	[tilespmem:$0x1C780] =	vst v63  }
0x10e: {  	s5 =	simm.s32 $0xA400  }
0x10f: {  	[hbm4b:s2+s3] =	stream.indirect_vreg.scatter [tilespmem:s5], [sflag:$0x5], $0x80, v4, vm0, $0xb8;
	[tilespmem:$0x1C780] =	vst v63  }
0x110: {  	s5 =	simm.s32 $0xAC00  }
0x111: {  	[hbm4b:s6+s3] =	stream.indirect_vreg.scatter [tilespmem:s5], [sflag:$0x5], $0x80, v4, vm0, $0xb8;
	[tilespmem:$0x1C780] =	vst v63  }
0x112: {  	s5 =	simm.s32 $0xB400  }
0x113: {  	[hbm4b:s7+s3] =	stream.indirect_vreg.scatter [tilespmem:s5], [sflag:$0x5], $0x80, v4, vm0, $0xb8;
	[tilespmem:$0x1C780] =	vst v63  }
0x114: {  	s5 =	simm.s32 $0xBC00  }
0x115: {  	[hbm4b:s8+s3] =	stream.indirect_vreg.scatter [tilespmem:s5], [sflag:$0x5], $0x80, v4, vm0, $0xb8;
	[tilespmem:$0x1C780] =	vst v63  }
0x116: {  	v4 =	vld [tilespmem:$0x210];
	_ =	sdelay $0x4  }
0x117: {  	v5 =	vshll.u32 v4, $0x3  }
0x118: {  	v4 =	vand.u32 $0x7, v4;
	v5 =	vand.u32 $0xFFFFFFC0, v5  }
0x119: {  	v4 =	vor.u32 v4, v5  }
0x11a: {  	v5 =	vperm.xlane v4, v1;
	_ =	sdelay $0x1  }
0x11b: {  	v5 =	vadd.s32 v2, v5;
	_ =	sdelay $0x3  }
0x11c: {  	s5 =	simm.s32 $0xC400  }
0x11d: {  	[hbm4b:s2+s3] =	stream.indirect_vreg.scatter [tilespmem:s5], [sflag:$0x5], $0x80, v5, vm0, $0xb8;
	[tilespmem:$0x1C780] =	vst v63  }
0x11e: {  	v4 =	vperm.xlane v4, v3;
	s5 =	simm.s32 $0xCC00  }
0x11f: {  	[hbm4b:s6+s3] =	stream.indirect_vreg.scatter [tilespmem:s5], [sflag:$0x5], $0x80, v5, vm0, $0xb8;
	[tilespmem:$0x1C780] =	vst v63  }
0x120: {  	v4 =	vadd.s32 v2, v4;
	s5 =	simm.s32 $0xD400  }
0x121: {  	[hbm4b:s7+s3] =	stream.indirect_vreg.scatter [tilespmem:s5], [sflag:$0x5], $0x80, v5, vm0, $0xb8;
	[tilespmem:$0x1C780] =	vst v63  }
0x122: {  	s5 =	simm.s32 $0xDC00  }
0x123: {  	[hbm4b:s8+s3] =	stream.indirect_vreg.scatter [tilespmem:s5], [sflag:$0x5], $0x80, v5, vm0, $0xb8;
	[tilespmem:$0x1C780] =	vst v63  }
0x124: {  	s5 =	simm.s32 $0xE400  }
0x125: {  	[hbm4b:s2+s3] =	stream.indirect_vreg.scatter [tilespmem:s5], [sflag:$0x5], $0x80, v4, vm0, $0xb8;
	[tilespmem:$0x1C780] =	vst v63  }
0x126: {  	s5 =	simm.s32 $0xEC00  }
0x127: {  	[hbm4b:s6+s3] =	stream.indirect_vreg.scatter [tilespmem:s5], [sflag:$0x5], $0x80, v4, vm0, $0xb8;
	[tilespmem:$0x1C780] =	vst v63  }
0x128: {  	s5 =	simm.s32 $0xF400  }
0x129: {  	[hbm4b:s7+s3] =	stream.indirect_vreg.scatter [tilespmem:s5], [sflag:$0x5], $0x80, v4, vm0, $0xb8;
	[tilespmem:$0x1C780] =	vst v63  }
0x12a: {  	s5 =	simm.s32 $0xFC00  }
0x12b: {  	[hbm4b:s8+s3] =	stream.indirect_vreg.scatter [tilespmem:s5], [sflag:$0x5], $0x80, v4, vm0, $0xb8;
	[tilespmem:$0x1C780] =	vst v63  }
0x12c: {  	_ =	swait.ge [sflag:s0], $0x8000  }
0x12d: {  	[sflag:s0] =	ssyncset.done $0x0  }
0x12e: {  	s5 =	rddreg [dreg:$0x12];
	[sflag:s0] =	ssyncadd.s32 $0xFFFF8000  }
0x12f: {  	[tilespmem:s16], [sflag:$0x1] =	stream.linear.gather [hbm4b:s5+s3], $0x8000, $0x38;
	[tilespmem:$0x1C780] =	vst v63  }
0x130: {  	_ =	swait.ge [sflag:s11], $0x8000  }
0x131: {  	[sflag:s11] =	ssyncset.done $0x0  }
0x132: {  	[sflag:s11] =	ssyncadd.s32 $0xFFFF8000  }
0x133: {  	v4 =	vld [tilespmem:$0x280];
	_ =	sdelay $0x4  }
0x134: {  	v5 =	vshll.u32 v4, $0x3  }
0x135: {  	v4 =	vand.u32 $0x7, v4;
	v5 =	vand.u32 $0xFFFFFFC0, v5  }
0x136: {  	v4 =	vor.u32 v4, v5  }
0x137: {  	v5 =	vperm.xlane v4, v1;
	_ =	sdelay $0x1  }
0x138: {  	v5 =	vadd.s32 v2, v5;
	_ =	sdelay $0x4  }
0x139: {  	[hbm4b:s2+s3] =	stream.indirect_vreg.scatter [tilespmem:s15], [sflag:$0x6], $0x80, v5, vm0, $0xb8;
	[tilespmem:$0x1C780] =	vst v63  }
0x13a: {  	s11 =	simm.s32 $0x10C00;
	v4 =	vperm.xlane v4, v3  }
0x13b: {  	[hbm4b:s6+s3] =	stream.indirect_vreg.scatter [tilespmem:s11], [sflag:$0x6], $0x80, v5, vm0, $0xb8;
	[tilespmem:$0x1C780] =	vst v63  }
0x13c: {  	v4 =	vadd.s32 v2, v4  }
0x13d: {  	[hbm4b:s7+s3] =	stream.indirect_vreg.scatter [tilespmem:s4], [sflag:$0x6], $0x80, v5, vm0, $0xb8;
	[tilespmem:$0x1C780] =	vst v63  }
0x13e: {  	_ = 	snop  }
0x13f: {  	[hbm4b:s8+s3] =	stream.indirect_vreg.scatter [tilespmem:s10], [sflag:$0x6], $0x80, v5, vm0, $0xb8;
	[tilespmem:$0x1C780] =	vst v63  }
0x140: {  	_ = 	snop  }
0x141: {  	[hbm4b:s2+s3] =	stream.indirect_vreg.scatter [tilespmem:s13], [sflag:$0x6], $0x80, v4, vm0, $0xb8;
	[tilespmem:$0x1C780] =	vst v63  }
0x142: {  	_ = 	snop  }
0x143: {  	[hbm4b:s6+s3] =	stream.indirect_vreg.scatter [tilespmem:s14], [sflag:$0x6], $0x80, v4, vm0, $0xb8;
	[tilespmem:$0x1C780] =	vst v63  }
0x144: {  	_ = 	snop  }
0x145: {  	[hbm4b:s7+s3] =	stream.indirect_vreg.scatter [tilespmem:s18], [sflag:$0x6], $0x80, v4, vm0, $0xb8;
	[tilespmem:$0x1C780] =	vst v63  }
0x146: {  	_ = 	snop  }
0x147: {  	[hbm4b:s8+s3] =	stream.indirect_vreg.scatter [tilespmem:s19], [sflag:$0x6], $0x80, v4, vm0, $0xb8;
	[tilespmem:$0x1C780] =	vst v63  }
0x148: {  	v4 =	vld [tilespmem:$0x290];
	_ =	sdelay $0x4  }
0x149: {  	v5 =	vshll.u32 v4, $0x3  }
0x14a: {  	v4 =	vand.u32 $0x7, v4;
	v5 =	vand.u32 $0xFFFFFFC0, v5  }
0x14b: {  	v4 =	vor.u32 v4, v5  }
0x14c: {  	v5 =	vperm.xlane v4, v1;
	_ =	sdelay $0x1  }
0x14d: {  	v5 =	vadd.s32 v2, v5;
	_ =	sdelay $0x4  }
0x14e: {  	[hbm4b:s2+s3] =	stream.indirect_vreg.scatter [tilespmem:s20], [sflag:$0x6], $0x80, v5, vm0, $0xb8;
	[tilespmem:$0x1C780] =	vst v63  }
0x14f: {  	v4 =	vperm.xlane v4, v3  }
0x150: {  	[hbm4b:s6+s3] =	stream.indirect_vreg.scatter [tilespmem:s21], [sflag:$0x6], $0x80, v5, vm0, $0xb8;
	[tilespmem:$0x1C780] =	vst v63  }
0x151: {  	v4 =	vadd.s32 v2, v4  }
0x152: {  	[hbm4b:s7+s3] =	stream.indirect_vreg.scatter [tilespmem:s22], [sflag:$0x6], $0x80, v5, vm0, $0xb8;
	[tilespmem:$0x1C780] =	vst v63  }
0x153: {  	_ = 	snop  }
0x154: {  	[hbm4b:s8+s3] =	stream.indirect_vreg.scatter [tilespmem:s23], [sflag:$0x6], $0x80, v5, vm0, $0xb8;
	[tilespmem:$0x1C780] =	vst v63  }
0x155: {  	_ = 	snop  }
0x156: {  	[hbm4b:s2+s3] =	stream.indirect_vreg.scatter [tilespmem:s24], [sflag:$0x6], $0x80, v4, vm0, $0xb8;
	[tilespmem:$0x1C780] =	vst v63  }
0x157: {  	_ = 	snop  }
0x158: {  	[hbm4b:s6+s3] =	stream.indirect_vreg.scatter [tilespmem:s25], [sflag:$0x6], $0x80, v4, vm0, $0xb8;
	[tilespmem:$0x1C780] =	vst v63  }
0x159: {  	_ = 	snop  }
0x15a: {  	[hbm4b:s7+s3] =	stream.indirect_vreg.scatter [tilespmem:s26], [sflag:$0x6], $0x80, v4, vm0, $0xb8;
	[tilespmem:$0x1C780] =	vst v63  }
0x15b: {  	_ = 	snop  }
0x15c: {  	[hbm4b:s8+s3] =	stream.indirect_vreg.scatter [tilespmem:s28], [sflag:$0x6], $0x80, v4, vm0, $0xb8;
	[tilespmem:$0x1C780] =	vst v63  }
0x15d: {  	_ =	swait.ge [sflag:s1], $0x8000  }
0x15e: {  	[sflag:s1] =	ssyncset.done $0x0  }
0x15f: {  	s13 =	rddreg [dreg:$0x13];
	[sflag:s1] =	ssyncadd.s32 $0xFFFF8000  }
0x160: {  	[tilespmem:s31], [sflag:$0x2] =	stream.linear.gather [hbm4b:s13+s3], $0x8000, $0x38;
	[tilespmem:$0x1C780] =	vst v63  }
0x161: {  	_ =	swait.ge [sflag:s17], $0x8000  }
0x162: {  	[sflag:s17] =	ssyncset.done $0x0  }
0x163: {  	[sflag:s17] =	ssyncadd.s32 $0xFFFF8000  }
0x164: {  	v4 =	vld [tilespmem:$0x300];
	_ =	sdelay $0x4  }
0x165: {  	v5 =	vshll.u32 v4, $0x3  }
0x166: {  	v4 =	vand.u32 $0x7, v4;
	v5 =	vand.u32 $0xFFFFFFC0, v5  }
0x167: {  	v4 =	vor.u32 v4, v5  }
0x168: {  	v5 =	vperm.xlane v4, v1;
	_ =	sdelay $0x1  }
0x169: {  	v5 =	vadd.s32 v2, v5;
	_ =	sdelay $0x4  }
0x16a: {  	[hbm4b:s2+s3] =	stream.indirect_vreg.scatter [tilespmem:s16], [sflag:$0x4], $0x80, v5, vm0, $0xb8;
	[tilespmem:$0x1C780] =	vst v63  }
0x16b: {  	s14 =	simm.s32 $0xC00;
	v4 =	vperm.xlane v4, v3  }
0x16c: {  	[hbm4b:s6+s3] =	stream.indirect_vreg.scatter [tilespmem:s14], [sflag:$0x4], $0x80, v5, vm0, $0xb8;
	[tilespmem:$0x1C780] =	vst v63  }
0x16d: {  	s5 =	simm.s32 $0x1400;
	v4 =	vadd.s32 v2, v4  }
0x16e: {  	[hbm4b:s7+s3] =	stream.indirect_vreg.scatter [tilespmem:s5], [sflag:$0x4], $0x80, v5, vm0, $0xb8;
	[tilespmem:$0x1C780] =	vst v63  }
0x16f: {  	s10 =	simm.s32 $0x1C00  }
0x170: {  	[hbm4b:s8+s3] =	stream.indirect_vreg.scatter [tilespmem:s10], [sflag:$0x4], $0x80, v5, vm0, $0xb8;
	[tilespmem:$0x1C780] =	vst v63  }
0x171: {  	s11 =	simm.s32 $0x2400  }
0x172: {  	[hbm4b:s2+s3] =	stream.indirect_vreg.scatter [tilespmem:s11], [sflag:$0x4], $0x80, v4, vm0, $0xb8;
	[tilespmem:$0x1C780] =	vst v63  }
0x173: {  	s13 =	simm.s32 $0x2C00  }
0x174: {  	[hbm4b:s6+s3] =	stream.indirect_vreg.scatter [tilespmem:s13], [sflag:$0x4], $0x80, v4, vm0, $0xb8;
	[tilespmem:$0x1C780] =	vst v63  }
0x175: {  	s14 =	simm.s32 $0x3400  }
0x176: {  	[hbm4b:s7+s3] =	stream.indirect_vreg.scatter [tilespmem:s14], [sflag:$0x4], $0x80, v4, vm0, $0xb8;
	[tilespmem:$0x1C780] =	vst v63  }
0x177: {  	s5 =	simm.s32 $0x3C00  }
0x178: {  	[hbm4b:s8+s3] =	stream.indirect_vreg.scatter [tilespmem:s5], [sflag:$0x4], $0x80, v4, vm0, $0xb8;
	[tilespmem:$0x1C780] =	vst v63  }
0x179: {  	v4 =	vld [tilespmem:$0x310];
	_ =	sdelay $0x4  }
0x17a: {  	v5 =	vshll.u32 v4, $0x3  }
0x17b: {  	v4 =	vand.u32 $0x7, v4;
	v5 =	vand.u32 $0xFFFFFFC0, v5  }
0x17c: {  	v4 =	vor.u32 v4, v5  }
0x17d: {  	v5 =	vperm.xlane v4, v1;
	_ =	sdelay $0x1  }
0x17e: {  	v5 =	vadd.s32 v2, v5;
	_ =	sdelay $0x3  }
0x17f: {  	s10 =	simm.s32 $0x4400  }
0x180: {  	[hbm4b:s2+s3] =	stream.indirect_vreg.scatter [tilespmem:s10], [sflag:$0x4], $0x80, v5, vm0, $0xb8;
	[tilespmem:$0x1C780] =	vst v63  }
0x181: {  	s11 =	simm.s32 $0x4C00;
	v4 =	vperm.xlane v4, v3  }
0x182: {  	[hbm4b:s6+s3] =	stream.indirect_vreg.scatter [tilespmem:s11], [sflag:$0x4], $0x80, v5, vm0, $0xb8;
	[tilespmem:$0x1C780] =	vst v63  }
0x183: {  	s13 =	simm.s32 $0x5400;
	v4 =	vadd.s32 v2, v4  }
0x184: {  	[hbm4b:s7+s3] =	stream.indirect_vreg.scatter [tilespmem:s13], [sflag:$0x4], $0x80, v5, vm0, $0xb8;
	[tilespmem:$0x1C780] =	vst v63  }
0x185: {  	s14 =	simm.s32 $0x5C00  }
0x186: {  	[hbm4b:s8+s3] =	stream.indirect_vreg.scatter [tilespmem:s14], [sflag:$0x4], $0x80, v5, vm0, $0xb8;
	[tilespmem:$0x1C780] =	vst v63  }
0x187: {  	s5 =	simm.s32 $0x6400  }
0x188: {  	[hbm4b:s2+s3] =	stream.indirect_vreg.scatter [tilespmem:s5], [sflag:$0x4], $0x80, v4, vm0, $0xb8;
	[tilespmem:$0x1C780] =	vst v63  }
0x189: {  	s10 =	simm.s32 $0x6C00  }
0x18a: {  	[hbm4b:s6+s3] =	stream.indirect_vreg.scatter [tilespmem:s10], [sflag:$0x4], $0x80, v4, vm0, $0xb8;
	[tilespmem:$0x1C780] =	vst v63  }
0x18b: {  	s11 =	simm.s32 $0x7400  }
0x18c: {  	[hbm4b:s7+s3] =	stream.indirect_vreg.scatter [tilespmem:s11], [sflag:$0x4], $0x80, v4, vm0, $0xb8;
	[tilespmem:$0x1C780] =	vst v63  }
0x18d: {  	s13 =	simm.s32 $0x7C00  }
0x18e: {  	[hbm4b:s8+s3] =	stream.indirect_vreg.scatter [tilespmem:s13], [sflag:$0x4], $0x80, v4, vm0, $0xb8;
	[tilespmem:$0x1C780] =	vst v63  }
0x18f: {  	_ =	swait.ge [sflag:s30], $0x8000  }
0x190: {  	[sflag:s30] =	ssyncset.done $0x0  }
0x191: {  	[sflag:s30] =	ssyncadd.s32 $0xFFFF8000  }
0x192: {  	v4 =	vld [tilespmem:$0x380];
	_ =	sdelay $0x4  }
0x193: {  	v5 =	vshll.u32 v4, $0x3  }
0x194: {  	v4 =	vand.u32 $0x7, v4;
	v5 =	vand.u32 $0xFFFFFFC0, v5  }
0x195: {  	v4 =	vor.u32 v4, v5  }
0x196: {  	v5 =	vperm.xlane v4, v1;
	_ =	sdelay $0x1  }
0x197: {  	v5 =	vadd.s32 v2, v5;
	_ =	sdelay $0x4  }
0x198: {  	[hbm4b:s2+s3] =	stream.indirect_vreg.scatter [tilespmem:s31], [sflag:$0x5], $0x80, v5, vm0, $0xb8;
	[tilespmem:$0x1C780] =	vst v63  }
0x199: {  	s14 =	simm.s32 $0x8C00;
	v4 =	vperm.xlane v4, v3  }
0x19a: {  	[hbm4b:s6+s3] =	stream.indirect_vreg.scatter [tilespmem:s14], [sflag:$0x5], $0x80, v5, vm0, $0xb8;
	[tilespmem:$0x1C780] =	vst v63  }
0x19b: {  	s5 =	simm.s32 $0x9400;
	v4 =	vadd.s32 v2, v4  }
0x19c: {  	[hbm4b:s7+s3] =	stream.indirect_vreg.scatter [tilespmem:s5], [sflag:$0x5], $0x80, v5, vm0, $0xb8;
	[tilespmem:$0x1C780] =	vst v63  }
0x19d: {  	s10 =	simm.s32 $0x9C00  }
0x19e: {  	[hbm4b:s8+s3] =	stream.indirect_vreg.scatter [tilespmem:s10], [sflag:$0x5], $0x80, v5, vm0, $0xb8;
	[tilespmem:$0x1C780] =	vst v63  }
0x19f: {  	s11 =	simm.s32 $0xA400  }
0x1a0: {  	[hbm4b:s2+s3] =	stream.indirect_vreg.scatter [tilespmem:s11], [sflag:$0x5], $0x80, v4, vm0, $0xb8;
	[tilespmem:$0x1C780] =	vst v63  }
0x1a1: {  	s13 =	simm.s32 $0xAC00  }
0x1a2: {  	[hbm4b:s6+s3] =	stream.indirect_vreg.scatter [tilespmem:s13], [sflag:$0x5], $0x80, v4, vm0, $0xb8;
	[tilespmem:$0x1C780] =	vst v63  }
0x1a3: {  	s14 =	simm.s32 $0xB400  }
0x1a4: {  	[hbm4b:s7+s3] =	stream.indirect_vreg.scatter [tilespmem:s14], [sflag:$0x5], $0x80, v4, vm0, $0xb8;
	[tilespmem:$0x1C780] =	vst v63  }
0x1a5: {  	s5 =	simm.s32 $0xBC00  }
0x1a6: {  	[hbm4b:s8+s3] =	stream.indirect_vreg.scatter [tilespmem:s5], [sflag:$0x5], $0x80, v4, vm0, $0xb8;
	[tilespmem:$0x1C780] =	vst v63  }
0x1a7: {  	v4 =	vld [tilespmem:$0x390];
	_ =	sdelay $0x4  }
0x1a8: {  	v5 =	vshll.u32 v4, $0x3  }
0x1a9: {  	v4 =	vand.u32 $0x7, v4;
	v5 =	vand.u32 $0xFFFFFFC0, v5  }
0x1aa: {  	v4 =	vor.u32 v4, v5  }
0x1ab: {  	v5 =	vperm.xlane v4, v1;
	_ =	sdelay $0x1  }
0x1ac: {  	v5 =	vadd.s32 v2, v5;
	_ =	sdelay $0x3  }
0x1ad: {  	s10 =	simm.s32 $0xC400  }
0x1ae: {  	[hbm4b:s2+s3] =	stream.indirect_vreg.scatter [tilespmem:s10], [sflag:$0x5], $0x80, v5, vm0, $0xb8;
	[tilespmem:$0x1C780] =	vst v63  }
0x1af: {  	s11 =	simm.s32 $0xCC00;
	v4 =	vperm.xlane v4, v3  }
0x1b0: {  	[hbm4b:s6+s3] =	stream.indirect_vreg.scatter [tilespmem:s11], [sflag:$0x5], $0x80, v5, vm0, $0xb8;
	[tilespmem:$0x1C780] =	vst v63  }
0x1b1: {  	s13 =	simm.s32 $0xD400;
	v4 =	vadd.s32 v2, v4  }
0x1b2: {  	[hbm4b:s7+s3] =	stream.indirect_vreg.scatter [tilespmem:s13], [sflag:$0x5], $0x80, v5, vm0, $0xb8;
	[tilespmem:$0x1C780] =	vst v63  }
0x1b3: {  	s14 =	simm.s32 $0xDC00  }
0x1b4: {  	[hbm4b:s8+s3] =	stream.indirect_vreg.scatter [tilespmem:s14], [sflag:$0x5], $0x80, v5, vm0, $0xb8;
	[tilespmem:$0x1C780] =	vst v63  }
0x1b5: {  	s5 =	simm.s32 $0xE400  }
0x1b6: {  	[hbm4b:s2+s3] =	stream.indirect_vreg.scatter [tilespmem:s5], [sflag:$0x5], $0x80, v4, vm0, $0xb8;
	[tilespmem:$0x1C780] =	vst v63  }
0x1b7: {  	s10 =	simm.s32 $0xEC00  }
0x1b8: {  	[hbm4b:s6+s3] =	stream.indirect_vreg.scatter [tilespmem:s10], [sflag:$0x5], $0x80, v4, vm0, $0xb8;
	[tilespmem:$0x1C780] =	vst v63  }
0x1b9: {  	s11 =	simm.s32 $0xF400  }
0x1ba: {  	[hbm4b:s7+s3] =	stream.indirect_vreg.scatter [tilespmem:s11], [sflag:$0x5], $0x80, v4, vm0, $0xb8;
	[tilespmem:$0x1C780] =	vst v63  }
0x1bb: {  	s13 =	simm.s32 $0xFC00  }
0x1bc: {  	[hbm4b:s8+s3] =	stream.indirect_vreg.scatter [tilespmem:s13], [sflag:$0x5], $0x80, v4, vm0, $0xb8;
	[tilespmem:$0x1C780] =	vst v63  }
0x1bd: {  	_ =	swait.ge [sflag:s29], $0x8000  }
0x1be: {  	[sflag:s29] =	ssyncset.done $0x0  }
0x1bf: {  	[sflag:s29] =	ssyncadd.s32 $0xFFFF8000  }
0x1c0: {  	_ =	swait.ge [sflag:s0], $0x8000  }
0x1c1: {  	[sflag:s0] =	ssyncset.done $0x0  }
0x1c2: {  	[sflag:s0] =	ssyncadd.s32 $0xFFFF8000  }
0x1c3: {  	_ =	swait.ge [sflag:s1], $0x8000  }
0x1c4: {  	[sflag:s1] =	ssyncset.done $0x0  }
0x1c5: {  	[sflag:s1] =	ssyncadd.s32 $0xFFFF8000  }
0x1c6: {  	_ =	swait.ge [sflag:s12], $0x100  }
0x1c7: {  	[sflag:s12] =	ssyncset.done $0x0  }
0x1c8: {  	[sflag:s12] =	ssyncadd.s32 $0xFFFFFF00  }
0x1c9: {  	_ =	swait.ge [sflag:s12], $0x100  }
0x1ca: {  	[sflag:s12] =	ssyncset.done $0x0  }
0x1cb: {  	[sflag:s12] =	ssyncadd.s32 $0xFFFFFF00  }
0x1cc: {  	_ =	swait.ge [sflag:s12], $0x10  }
0x1cd: {  	[sflag:s12] =	ssyncset.done $0x0  }
0x1ce: {  	[sflag:s12] =	ssyncadd.s32 $0xFFFFFFF0  }
0x1cf: {  	_ =	swait.ge [sflag:s12], $0x4000  }
0x1d0: {  	[sflag:s12] =	ssyncset.done $0x0  }
0x1d1: {  	[sflag:s12] =	ssyncadd.s32 $0xFFFFC000  }
0x1d2: {  	_ =	swait.ge [sflag:s12], $0x10  }
0x1d3: {  	s4 =	sld [smem:$0x7FD]  }
0x1d4: {  	s14 =	simm.s32 $0x18400;
	s29 =	simm.s32 $0x18500;
	[sflag:s12] =	ssyncset.done $0x0  }
0x1d5: {  	s0 =	simm.s32 $0x80;
	s5 =	rddreg [dreg:$0x15];
	[sflag:s12] =	ssyncadd.s32 $0xFFFFFFF0  }
0x1d6: {  	[hbm4b:s4+s0] =	stream.indirect.scatter [tilespmem:s29], [sflag:$0x7], $0x1, s14, s0, $0xb8;
	[tilespmem:$0x1C780] =	vst v63  }
0x1d7: {  	s13 =	rddreg [dreg:$0x16]  }
0x1d8: {  	[hbm4b:s4+s0] =	stream.indirect.scatter [tilespmem:s13], [sflag:$0x7], $0x1, s5, s0, $0xb8;
	[tilespmem:$0x1C780] =	vst v63  }
0x1d9: {  	v4 =	vld [tilespmem:$0x1C600];
	_ =	sdelay $0x4  }
0x1da: {  	v5 =	vshll.u32 v4, $0x3  }
0x1db: {  	v4 =	vand.u32 $0x7, v4;
	v5 =	vand.u32 $0xFFFFFFC0, v5  }
0x1dc: {  	v4 =	vor.u32 v4, v5  }
0x1dd: {  	v5 =	vperm.xlane v4, v1;
	_ =	sdelay $0x1  }
0x1de: {  	v5 =	vadd.s32 v2, v5;
	_ =	sdelay $0x3  }
0x1df: {  	s29 =	simm.s32 $0x18600  }
0x1e0: {  	[hbm4b:s2+s3] =	stream.indirect_vreg.scatter [tilespmem:s29], [sflag:$0x7], $0x80, v5, vm0, $0xb8;
	[tilespmem:$0x1C780] =	vst v63  }
0x1e1: {  	s14 =	rddreg [dreg:$0x17];
	v4 =	vperm.xlane v4, v3  }
0x1e2: {  	[hbm4b:s6+s3] =	stream.indirect_vreg.scatter [tilespmem:s14], [sflag:$0x7], $0x80, v5, vm0, $0xb8;
	[tilespmem:$0x1C780] =	vst v63  }
0x1e3: {  	s10 =	rddreg [dreg:$0x18];
	v4 =	vadd.s32 v2, v4  }
0x1e4: {  	[hbm4b:s7+s3] =	stream.indirect_vreg.scatter [tilespmem:s10], [sflag:$0x7], $0x80, v5, vm0, $0xb8;
	[tilespmem:$0x1C780] =	vst v63  }
0x1e5: {  	s11 =	rddreg [dreg:$0x19]  }
0x1e6: {  	[hbm4b:s8+s3] =	stream.indirect_vreg.scatter [tilespmem:s11], [sflag:$0x7], $0x80, v5, vm0, $0xb8;
	[tilespmem:$0x1C780] =	vst v63  }
0x1e7: {  	s14 =	rddreg [dreg:$0x1a]  }
0x1e8: {  	[hbm4b:s2+s3] =	stream.indirect_vreg.scatter [tilespmem:s14], [sflag:$0x7], $0x80, v4, vm0, $0xb8;
	[tilespmem:$0x1C780] =	vst v63  }
0x1e9: {  	s29 =	rddreg [dreg:$0x1b]  }
0x1ea: {  	[hbm4b:s6+s3] =	stream.indirect_vreg.scatter [tilespmem:s29], [sflag:$0x7], $0x80, v4, vm0, $0xb8;
	[tilespmem:$0x1C780] =	vst v63  }
0x1eb: {  	s0 =	rddreg [dreg:$0x1c]  }
0x1ec: {  	[hbm4b:s7+s3] =	stream.indirect_vreg.scatter [tilespmem:s0], [sflag:$0x7], $0x80, v4, vm0, $0xb8;
	[tilespmem:$0x1C780] =	vst v63  }
0x1ed: {  	s10 =	rddreg [dreg:$0x1d]  }
0x1ee: {  	[hbm4b:s8+s3] =	stream.indirect_vreg.scatter [tilespmem:s10], [sflag:$0x7], $0x80, v4, vm0, $0xb8;
	[tilespmem:$0x1C780] =	vst v63  }
0x1ef: {  	v4 =	vld [tilespmem:$0x1C680];
	_ =	sdelay $0x4  }
0x1f0: {  	v4 =	vadd.s32 v0, v4;
	_ =	sdelay $0x3  }
0x1f1: {  	s13 =	simm.s32 $0x1C700;
	s11 =	rddreg [dreg:$0x6]  }
0x1f2: {  	[tilespmem:s13], [sflag:$0x1] =	stream.indirect_vreg.gather [hbm4b:s11+s3], $0x1, v4, vm0, $0xb8;
	[tilespmem:$0x1C780] =	vst v63  }
0x1f3: {  	_ =	swait.ge [sflag:s17], $0x10  }
0x1f4: {  	[sflag:s17] =	ssyncset.done $0x0  }
0x1f5: {  	s29 =	simm.s32 $0x1C600;
	s14 =	rddreg [dreg:$0x1e];
	[sflag:s17] =	ssyncadd.s32 $0xFFFFFFF0  }
0x1f6: {  	[hbm4b:s4+s14] =	stream.indirect.scatter [tilespmem:s13], [sflag:$0x7], $0x1, s29, s14, $0xb8;
	[tilespmem:$0x1C780] =	vst v63  }
0x1f7: {  	_ =	swait.ge [sflag:s12], $0x10  }
0x1f8: {  	[sflag:s12] =	ssyncset.done $0x0  }
0x1f9: {  	[sflag:s12] =	ssyncadd.s32 $0xFFFFFFF0  }
0x1fa: {  	_ =	swait.ge [sflag:s12], $0x80  }
0x1fb: {  	[sflag:s12] =	ssyncset.done $0x0  }
0x1fc: {  	[sflag:s12] =	ssyncadd.s32 $0xFFFFFF80  }
0x1fd: {  	p0 =	sne.s32 s9, $0x1;
	_ =	swait.ge [sflag:s12], $0x80  }
.Ltmp0:
0x1fe: {  	[sflag:s12] =	ssyncset.done $0x0;
	(pc) =	sbr.rel @p0 .LBB2_1-.Ltmp0, $4  }
0x1ff: {  	[sflag:s12] =	ssyncadd.s32 $0xFFFFFF80  }
0x200: {  	_ =	swait.ge [sflag:s12], $0x4000  }
0x201: {  	[sflag:s12] =	ssyncset.done $0x0  }
0x202: {  	s9 =	sadd.s32 $0xFFFFFFFF, s9;
	[sflag:s12] =	ssyncadd.s32 $0xFFFFC000  }
0x203: {  	_ =	sfence.sel $0x180000  }
0x204: {  	[bflag:$0x0] =	sbarrier.arrive $0xFFFF  }
0x205: {  	_ =	strace $0x90000047  }
0x206: {  	s0 =	stileid.u32;
	[bflag:$0x2] =	sbarrier.arrive $0xFFFF  }
0x207: {  	p0 =	sne.s32 s0, $0x0;
	s0 =	rddreg [dreg:$0x5]  }
0x208: {  	s0 =	sadd.s32 @!p0 $0x100000, s0  }
0x209: {  	[sflag:s0] =	ssyncadd.tile.s32 @!p0 $0x1;
	_ =	shalt  }
.Lfunc_end2:
_tile_overlayer_lowered:
.L_overlay_start_2:
0x20a: {  	(tag) =	ssettag $0x2  }
0x20b: {  	s0 =	rddreg [dreg:$0x0];
	s2 =	stileid.u32  }
0x20c: {  	s1 =	rddreg [dreg:$0x1];
	p0 =	sne.s32 s2, $0x0  }
0x20d: {  	s3 =	rddreg [dreg:$0x2];
	[bflag:$0x3] =	sbarrier.arrive $0xFFFF;
	s2 =	simm.s32 @!p0 $0x1C08  }
0x20e: {  	[timem:s3], [sflag:s2] =	dma.local @!p0 [hbm:s0], s1  }
0x20f: {  	s0 =	simm.s32 @!p0 $0x8  }
0x210: {  	_ =	swait.ge @!p0 [sflag:s0], s1  }
0x211: {  	s1 =	ssub.s32 @!p0 $0x0, s1;
	[sflag:s0] =	ssyncset.done @!p0 $0x0  }
0x212: {  	[sflag:s0] =	ssyncadd.s32 @!p0 s1  }
0x213: {  	[bflag:$0x3] =	sbarrier.arrive $0xFFFF  }
0x214: {  	_ =	shalt  }

</sc_bundles>
